<compile_context>
chip_gen: v7x
topology: tpu7x:2x2x1
jax: 0.10.2.dev20260603
libtpu: 0.0.44.dev20260713+nightly
codegen_flags: <defaults>
</compile_context>

<pallas_src>
import functools

import jax
import jax.numpy as jnp
from jax import lax
from jax.experimental import pallas as pl
from jax.experimental.pallas import tpu as pltpu
from jax.experimental.pallas import tpu_sc as plsc

_B = 16384
_D = 128
_NC = 2
_NS = 16
_NW = _NC * _NS
_BPW = _B // _NW
_CB = 128
_NCHUNK = _BPW // _CB
_NSLOT = 2
_AHEAD = 1
_GP = 16
_UNROLL = 1

_mesh = plsc.VectorSubcoreMesh(core_axis_name="c", subcore_axis_name="s",
                               num_cores=_NC)


def _compute_chunk(t_buf, r_buf, ch, out_v):

    last_lane = lax.iota(jnp.int32, _GP) == (_GP - 1)

    @plsc.parallel_loop(0, _CB, 1, unroll=_UNROLL)
    def row_body(r):
        prods = [t_buf[r, pl.ds(j * 16, 16)] * r_buf[r, pl.ds(j * 16, 16)]
                 for j in range(_D // 16)]
        while len(prods) > 1:
            prods = [prods[i] + prods[i + 1] for i in range(0, len(prods), 2)]
        total = plsc.cumsum(prods[0])
        plsc.store_compressed(out_v.at[pl.ds(ch * _CB + r, _GP)], total,
                              mask=last_lane)


@functools.partial(
    pl.kernel,
    mesh=_mesh,
    out_type=jax.ShapeDtypeStruct((_B,), jnp.float32),
    scratch_types=[
        pltpu.VMEM((_BPW,), jnp.int32),
        pltpu.VMEM((_BPW + _GP,), jnp.float32),
        pltpu.VMEM((_CB, _D), jnp.float32),
        pltpu.VMEM((_CB, _D), jnp.float32),
        pltpu.VMEM((_CB, _D), jnp.float32),
        pltpu.VMEM((_CB, _D), jnp.float32),
        pltpu.SemaphoreType.DMA,
        pltpu.SemaphoreType.DMA,
    ],
    compiler_params=pltpu.CompilerParams(needs_layout_passes=False),
)
def _spline_dot_sc(t_hbm, c_hbm, w_hbm, out_hbm,
                   idx_v, out_v, r0, r1, t0, t1, s0, s1):
    wid = lax.axis_index("s") * _NC + lax.axis_index("c")
    base = wid * _BPW

    rbufs = (r0, r1)
    tbufs = (t0, t1)
    sems = (s0, s1)

    def fire(ch):
        slot = ch % _NSLOT
        hr = pltpu.async_copy(
            w_hbm.at[idx_v.at[pl.ds(ch * _CB, _CB)]], rbufs[slot], sems[slot])
        ht = pltpu.async_copy(
            t_hbm.at[pl.ds(base + ch * _CB, _CB)], tbufs[slot], sems[slot])
        return hr, ht

    ht0 = pltpu.async_copy(t_hbm.at[pl.ds(base, _CB)], tbufs[0], sems[0])
    pltpu.sync_copy(c_hbm.at[pl.ds(base, _BPW)], idx_v)
    hr0 = pltpu.async_copy(w_hbm.at[idx_v.at[pl.ds(0, _CB)]], rbufs[0], sems[0])
    pending = [(hr0, ht0)] + [fire(ch) for ch in range(1, _AHEAD)]
    for ch in range(_NCHUNK):
        slot = ch % _NSLOT
        if ch + _AHEAD < _NCHUNK:
            pending.append(fire(ch + _AHEAD))
        hr, ht = pending.pop(0)
        hr.wait()
        ht.wait()
        _compute_chunk(tbufs[slot], rbufs[slot], ch, out_v)

    pltpu.sync_copy(out_v.at[pl.ds(0, _BPW)], out_hbm.at[pl.ds(base, _BPW)])


def kernel(t, c, alphas_weight):
    return _spline_dot_sc(t, c.astype(jnp.int32), alphas_weight)

# --- scband reference (transcript-rebuilt; emitter-appended) ---
"""Pipeline reference for scband-spline-regression-57612691308702 (READ-ONLY COPY).

The authoritative reference and input builder live on the scoring server;
editing this copy changes nothing except your own understanding.
"""

import jax, jax.numpy as jnp
import numpy as np

N_GROUPS = 100000
N_NODES = 128
BATCH = 16384

def setup_inputs(seed: int = 0) -> dict:
    key = jax.random.key(seed)
    k1, k2, k3 = jax.random.split(key, 3)
    t = jax.random.normal(k1, (BATCH, N_NODES), dtype=jnp.float32)
    c = jax.random.randint(k2, (BATCH,), 0, N_GROUPS, dtype=jnp.int64)
    # nn.Embedding default init: N(0, 1)
    alphas_weight = jax.random.normal(k3, (N_GROUPS, N_NODES), dtype=jnp.float32)
    return {"t": t, "c": c, "alphas_weight": alphas_weight}

def reference(t, c, alphas_weight):
    # alphas = self.alphas(c) -> gather rows of embedding table
    alphas = jnp.take(alphas_weight, c, axis=0)  # [B, n_nodes]
    # torch.bmm(t.unsqueeze(1), alphas.unsqueeze(2)).squeeze() == per-row dot product -> [B]
    out = jnp.sum(t * alphas, axis=-1)
    return out

if __name__ == "__main__":
    import jax
    _d = setup_inputs()
    print(jax.jit(kernel)(*tuple(_d.values())))

</pallas_src>

<mosaic_0001>
#map = affine_map<(d0, d1) -> (0, 0)>
#map1 = affine_map<(d0, d1) -> (0)>
module attributes {stable_mosaic.version = 14 : i64} {
  func.func @_spline_dot_sc(%arg0: i32, %arg1: i32, %arg2: memref<16384x128xf32, #tpu.memory_space<hbm>>, %arg3: memref<16384xi32, #tpu.memory_space<hbm>>, %arg4: memref<100000x128xf32, #tpu.memory_space<hbm>>, %arg5: memref<16384xf32, #tpu.memory_space<hbm>>, %arg6: memref<512xi32, #tpu.memory_space<vmem>>, %arg7: memref<528xf32, #tpu.memory_space<vmem>>, %arg8: memref<128x128xf32, #tpu.memory_space<vmem>>, %arg9: memref<128x128xf32, #tpu.memory_space<vmem>>, %arg10: memref<128x128xf32, #tpu.memory_space<vmem>>, %arg11: memref<128x128xf32, #tpu.memory_space<vmem>>, %arg12: memref<!tpu.dma_semaphore, #tpu.memory_space<semaphore_mem>>, %arg13: memref<!tpu.dma_semaphore, #tpu.memory_space<semaphore_mem>>) attributes {dimension_semantics = [#tpu.dimension_semantics<core_parallel>, #tpu.dimension_semantics<subcore_parallel>], iteration_bounds = array<i64: 2, 16>, scalar_prefetch = 0 : i64, scratch_operands = 8 : i64, tpu.core_type = #tpu.core_type<sc_vector_subcore>, window_params = [{transform_indices = #map}, {transform_indices = #map1}, {transform_indices = #map}, {transform_indices = #map1}]} {
    %mul3A = arith.constant 2 : i32
    %mul3A_0 = arith.muli %arg1, %mul3A : i32
    %add3A = arith.addi %mul3A_0, %arg0 : i32
    %mul3A_1 = arith.constant 512 : i32
    %mul3A_2 = arith.muli %add3A, %mul3A_1 : i32
    %dma_start3A = arith.constant 0 : i32
    %dma_start3A_3 = tpu.memref_slice %arg2[%mul3A_2, %dma_start3A] : memref<16384x128xf32, #tpu.memory_space<hbm>> -> memref<128x128xf32, #tpu.memory_space<hbm>>
    %dma_start3A_4 = arith.constant 0 : i32
    %dma_start3A_5 = tpu.memref_slice %arg2[%mul3A_2, %dma_start3A_4] : memref<16384x128xf32, #tpu.memory_space<hbm>> -> memref<128x128xf32, #tpu.memory_space<hbm>>
    tpu.enqueue_dma source(%dma_start3A_5 : memref<128x128xf32, #tpu.memory_space<hbm>>) target(%arg10 : memref<128x128xf32, #tpu.memory_space<vmem>>) target_semaphore(%arg12 : memref<!tpu.dma_semaphore, #tpu.memory_space<semaphore_mem>>)
    "tpu.region"() ({
      %run_scoped3A = tpu.sem_alloc : memref<!tpu.dma_semaphore, #tpu.memory_space<semaphore_mem>>
      %dma_start3A_104 = tpu.memref_slice %arg3[%mul3A_2] : memref<16384xi32, #tpu.memory_space<hbm>> -> memref<512xi32, #tpu.memory_space<hbm>>
      %dma_start3A_105 = tpu.memref_slice %arg3[%mul3A_2] : memref<16384xi32, #tpu.memory_space<hbm>> -> memref<512xi32, #tpu.memory_space<hbm>>
      tpu.enqueue_dma source(%dma_start3A_105 : memref<512xi32, #tpu.memory_space<hbm>>) target(%arg6 : memref<512xi32, #tpu.memory_space<vmem>>) target_semaphore(%run_scoped3A : memref<!tpu.dma_semaphore, #tpu.memory_space<semaphore_mem>>)
      %dma_wait3A_106 = tpu.memref_slice %arg3[%mul3A_2] : memref<16384xi32, #tpu.memory_space<hbm>> -> memref<512xi32, #tpu.memory_space<hbm>>
      %dma_wait3A_107 = tpu.memref_slice %arg3[%mul3A_2] : memref<16384xi32, #tpu.memory_space<hbm>> -> memref<512xi32, #tpu.memory_space<hbm>>
      tpu.wait_dma2 semaphore(%run_scoped3A : memref<!tpu.dma_semaphore, #tpu.memory_space<semaphore_mem>>) src(%dma_wait3A_107 : memref<512xi32, #tpu.memory_space<hbm>>) dst(%arg6 : memref<512xi32, #tpu.memory_space<vmem>>)
      tpu.yield
    }) : () -> ()
    %dma_start3A_6 = arith.constant 0 : i32
    %dma_start3A_7 = tpu.memref_slice %arg6[%dma_start3A_6] : memref<512xi32, #tpu.memory_space<vmem>> -> memref<128xi32, #tpu.memory_space<vmem>>
    %dma_start3A_8 = arith.constant 0 : i32
    %dma_start3A_9 = arith.constant 0 : i32
    %dma_start3A_10 = tpu.memref_slice %arg4[%dma_start3A_8, %dma_start3A_9] : memref<100000x128xf32, #tpu.memory_space<hbm>> -> memref<100000x128xf32, #tpu.memory_space<hbm>>
    tpu.enqueue_indirect_dma source(%dma_start3A_10 : memref<100000x128xf32, #tpu.memory_space<hbm>>) target(%arg8 : memref<128x128xf32, #tpu.memory_space<vmem>>) offsets(%dma_start3A_7 : memref<128xi32, #tpu.memory_space<vmem>>) semaphore(%arg12 : memref<!tpu.dma_semaphore, #tpu.memory_space<semaphore_mem>>)
    %dma_start3A_11 = arith.constant 128 : i32
    %dma_start3A_12 = tpu.memref_slice %arg6[%dma_start3A_11] : memref<512xi32, #tpu.memory_space<vmem>> -> memref<128xi32, #tpu.memory_space<vmem>>
    %dma_start3A_13 = arith.constant 0 : i32
    %dma_start3A_14 = arith.constant 0 : i32
    %dma_start3A_15 = tpu.memref_slice %arg4[%dma_start3A_13, %dma_start3A_14] : memref<100000x128xf32, #tpu.memory_space<hbm>> -> memref<100000x128xf32, #tpu.memory_space<hbm>>
    tpu.enqueue_indirect_dma source(%dma_start3A_15 : memref<100000x128xf32, #tpu.memory_space<hbm>>) target(%arg9 : memref<128x128xf32, #tpu.memory_space<vmem>>) offsets(%dma_start3A_12 : memref<128xi32, #tpu.memory_space<vmem>>) semaphore(%arg13 : memref<!tpu.dma_semaphore, #tpu.memory_space<semaphore_mem>>)
    %add3A_16 = arith.constant 128 : i32
    %add3A_17 = arith.addi %mul3A_2, %add3A_16 : i32
    %dma_start3A_18 = arith.constant 0 : i32
    %dma_start3A_19 = tpu.memref_slice %arg2[%add3A_17, %dma_start3A_18] : memref<16384x128xf32, #tpu.memory_space<hbm>> -> memref<128x128xf32, #tpu.memory_space<hbm>>
    %dma_start3A_20 = arith.constant 0 : i32
    %dma_start3A_21 = tpu.memref_slice %arg2[%add3A_17, %dma_start3A_20] : memref<16384x128xf32, #tpu.memory_space<hbm>> -> memref<128x128xf32, #tpu.memory_space<hbm>>
    tpu.enqueue_dma source(%dma_start3A_21 : memref<128x128xf32, #tpu.memory_space<hbm>>) target(%arg11 : memref<128x128xf32, #tpu.memory_space<vmem>>) target_semaphore(%arg13 : memref<!tpu.dma_semaphore, #tpu.memory_space<semaphore_mem>>)
    %dma_wait3A = arith.constant 0 : i32
    %dma_wait3A_22 = tpu.memref_slice %arg6[%dma_wait3A] : memref<512xi32, #tpu.memory_space<vmem>> -> memref<128xi32, #tpu.memory_space<vmem>>
    %dma_wait3A_23 = arith.constant 0 : i32
    %dma_wait3A_24 = arith.constant 0 : i32
    %dma_wait3A_25 = tpu.memref_slice %arg4[%dma_wait3A_23, %dma_wait3A_24] : memref<100000x128xf32, #tpu.memory_space<hbm>> -> memref<100000x128xf32, #tpu.memory_space<hbm>>
    tpu.wait_indirect_dma semaphore(%arg12 : memref<!tpu.dma_semaphore, #tpu.memory_space<semaphore_mem>>) src(%dma_wait3A_25 : memref<100000x128xf32, #tpu.memory_space<hbm>>) dst(%arg8 : memref<128x128xf32, #tpu.memory_space<vmem>>)
    %dma_wait3A_26 = arith.constant 0 : i32
    %dma_wait3A_27 = tpu.memref_slice %arg2[%mul3A_2, %dma_wait3A_26] : memref<16384x128xf32, #tpu.memory_space<hbm>> -> memref<128x128xf32, #tpu.memory_space<hbm>>
    %dma_wait3A_28 = arith.constant 0 : i32
    %dma_wait3A_29 = tpu.memref_slice %arg2[%mul3A_2, %dma_wait3A_28] : memref<16384x128xf32, #tpu.memory_space<hbm>> -> memref<128x128xf32, #tpu.memory_space<hbm>>
    tpu.wait_dma2 semaphore(%arg12 : memref<!tpu.dma_semaphore, #tpu.memory_space<semaphore_mem>>) src(%dma_wait3A_29 : memref<128x128xf32, #tpu.memory_space<hbm>>) dst(%arg10 : memref<128x128xf32, #tpu.memory_space<vmem>>)
    %iota3A = tpu.iota {dimensions = array<i32: 0>} : vector<16xi32>
    %eq3A = arith.constant 15 : i32
    %eq3A_30 = vector.broadcast %eq3A : i32 to vector<16xi32>
    %eq3A_31 = arith.cmpi eq, %iota3A, %eq3A_30 : vector<16xi32>
    %parallel_loop3A = arith.constant 0 : i32
    %parallel_loop3A_32 = arith.constant 128 : i32
    %parallel_loop3A_33 = arith.constant 1 : i32
    scf.for %parallel_loop3A_104 = %parallel_loop3A to %parallel_loop3A_32 step %parallel_loop3A_33  : i32 {
      %parallel_loop3A_105 = arith.index_cast %parallel_loop3A_104 : i32 to index
      %parallel_loop3A_106 = arith.constant 0 : index
      %parallel_loop3A_107 = tpu.vector_load %arg10[%parallel_loop3A_105, %parallel_loop3A_106] {strides = array<i32>} : memref<128x128xf32, #tpu.memory_space<vmem>>, vector<16xf32>,
      %parallel_loop3A_108 = arith.index_cast %parallel_loop3A_104 : i32 to index
      %parallel_loop3A_109 = arith.constant 0 : index
      %parallel_loop3A_110 = tpu.vector_load %arg8[%parallel_loop3A_108, %parallel_loop3A_109] {strides = array<i32>} : memref<128x128xf32, #tpu.memory_space<vmem>>, vector<16xf32>,
      %parallel_loop3A_111 = arith.mulf %parallel_loop3A_107, %parallel_loop3A_110 : vector<16xf32>
      %parallel_loop3A_112 = arith.index_cast %parallel_loop3A_104 : i32 to index
      %parallel_loop3A_113 = arith.constant 16 : index
      %parallel_loop3A_114 = tpu.vector_load %arg10[%parallel_loop3A_112, %parallel_loop3A_113] {strides = array<i32>} : memref<128x128xf32, #tpu.memory_space<vmem>>, vector<16xf32>,
      %parallel_loop3A_115 = arith.index_cast %parallel_loop3A_104 : i32 to index
      %parallel_loop3A_116 = arith.constant 16 : index
      %parallel_loop3A_117 = tpu.vector_load %arg8[%parallel_loop3A_115, %parallel_loop3A_116] {strides = array<i32>} : memref<128x128xf32, #tpu.memory_space<vmem>>, vector<16xf32>,
      %parallel_loop3A_118 = arith.mulf %parallel_loop3A_114, %parallel_loop3A_117 : vector<16xf32>
      %parallel_loop3A_119 = arith.index_cast %parallel_loop3A_104 : i32 to index
      %parallel_loop3A_120 = arith.constant 32 : index
      %parallel_loop3A_121 = tpu.vector_load %arg10[%parallel_loop3A_119, %parallel_loop3A_120] {strides = array<i32>} : memref<128x128xf32, #tpu.memory_space<vmem>>, vector<16xf32>,
      %parallel_loop3A_122 = arith.index_cast %parallel_loop3A_104 : i32 to index
      %parallel_loop3A_123 = arith.constant 32 : index
      %parallel_loop3A_124 = tpu.vector_load %arg8[%parallel_loop3A_122, %parallel_loop3A_123] {strides = array<i32>} : memref<128x128xf32, #tpu.memory_space<vmem>>, vector<16xf32>,
      %parallel_loop3A_125 = arith.mulf %parallel_loop3A_121, %parallel_loop3A_124 : vector<16xf32>
      %parallel_loop3A_126 = arith.index_cast %parallel_loop3A_104 : i32 to index
      %parallel_loop3A_127 = arith.constant 48 : index
      %parallel_loop3A_128 = tpu.vector_load %arg10[%parallel_loop3A_126, %parallel_loop3A_127] {strides = array<i32>} : memref<128x128xf32, #tpu.memory_space<vmem>>, vector<16xf32>,
      %parallel_loop3A_129 = arith.index_cast %parallel_loop3A_104 : i32 to index
      %parallel_loop3A_130 = arith.constant 48 : index
      %parallel_loop3A_131 = tpu.vector_load %arg8[%parallel_loop3A_129, %parallel_loop3A_130] {strides = array<i32>} : memref<128x128xf32, #tpu.memory_space<vmem>>, vector<16xf32>,
      %parallel_loop3A_132 = arith.mulf %parallel_loop3A_128, %parallel_loop3A_131 : vector<16xf32>
      %parallel_loop3A_133 = arith.index_cast %parallel_loop3A_104 : i32 to index
      %parallel_loop3A_134 = arith.constant 64 : index
      %parallel_loop3A_135 = tpu.vector_load %arg10[%parallel_loop3A_133, %parallel_loop3A_134] {strides = array<i32>} : memref<128x128xf32, #tpu.memory_space<vmem>>, vector<16xf32>,
      %parallel_loop3A_136 = arith.index_cast %parallel_loop3A_104 : i32 to index
      %parallel_loop3A_137 = arith.constant 64 : index
      %parallel_loop3A_138 = tpu.vector_load %arg8[%parallel_loop3A_136, %parallel_loop3A_137] {strides = array<i32>} : memref<128x128xf32, #tpu.memory_space<vmem>>, vector<16xf32>,
      %parallel_loop3A_139 = arith.mulf %parallel_loop3A_135, %parallel_loop3A_138 : vector<16xf32>
      %parallel_loop3A_140 = arith.index_cast %parallel_loop3A_104 : i32 to index
      %parallel_loop3A_141 = arith.constant 80 : index
      %parallel_loop3A_142 = tpu.vector_load %arg10[%parallel_loop3A_140, %parallel_loop3A_141] {strides = array<i32>} : memref<128x128xf32, #tpu.memory_space<vmem>>, vector<16xf32>,
      %parallel_loop3A_143 = arith.index_cast %parallel_loop3A_104 : i32 to index
      %parallel_loop3A_144 = arith.constant 80 : index
      %parallel_loop3A_145 = tpu.vector_load %arg8[%parallel_loop3A_143, %parallel_loop3A_144] {strides = array<i32>} : memref<128x128xf32, #tpu.memory_space<vmem>>, vector<16xf32>,
      %parallel_loop3A_146 = arith.mulf %parallel_loop3A_142, %parallel_loop3A_145 : vector<16xf32>
      %parallel_loop3A_147 = arith.index_cast %parallel_loop3A_104 : i32 to index
      %parallel_loop3A_148 = arith.constant 96 : index
      %parallel_loop3A_149 = tpu.vector_load %arg10[%parallel_loop3A_147, %parallel_loop3A_148] {strides = array<i32>} : memref<128x128xf32, #tpu.memory_space<vmem>>, vector<16xf32>,
      %parallel_loop3A_150 = arith.index_cast %parallel_loop3A_104 : i32 to index
      %parallel_loop3A_151 = arith.constant 96 : index
      %parallel_loop3A_152 = tpu.vector_load %arg8[%parallel_loop3A_150, %parallel_loop3A_151] {strides = array<i32>} : memref<128x128xf32, #tpu.memory_space<vmem>>, vector<16xf32>,
      %parallel_loop3A_153 = arith.mulf %parallel_loop3A_149, %parallel_loop3A_152 : vector<16xf32>
      %parallel_loop3A_154 = arith.index_cast %parallel_loop3A_104 : i32 to index
      %parallel_loop3A_155 = arith.constant 112 : index
      %parallel_loop3A_156 = tpu.vector_load %arg10[%parallel_loop3A_154, %parallel_loop3A_155] {strides = array<i32>} : memref<128x128xf32, #tpu.memory_space<vmem>>, vector<16xf32>,
      %parallel_loop3A_157 = arith.index_cast %parallel_loop3A_104 : i32 to index
      %parallel_loop3A_158 = arith.constant 112 : index
      %parallel_loop3A_159 = tpu.vector_load %arg8[%parallel_loop3A_157, %parallel_loop3A_158] {strides = array<i32>} : memref<128x128xf32, #tpu.memory_space<vmem>>, vector<16xf32>,
      %parallel_loop3A_160 = arith.mulf %parallel_loop3A_156, %parallel_loop3A_159 : vector<16xf32>
      %parallel_loop3A_161 = arith.addf %parallel_loop3A_111, %parallel_loop3A_118 : vector<16xf32>
      %parallel_loop3A_162 = arith.addf %parallel_loop3A_125, %parallel_loop3A_132 : vector<16xf32>
      %parallel_loop3A_163 = arith.addf %parallel_loop3A_139, %parallel_loop3A_146 : vector<16xf32>
      %parallel_loop3A_164 = arith.addf %parallel_loop3A_153, %parallel_loop3A_160 : vector<16xf32>
      %parallel_loop3A_165 = arith.addf %parallel_loop3A_161, %parallel_loop3A_162 : vector<16xf32>
      %parallel_loop3A_166 = arith.addf %parallel_loop3A_163, %parallel_loop3A_164 : vector<16xf32>
      %parallel_loop3A_167 = arith.addf %parallel_loop3A_165, %parallel_loop3A_166 : vector<16xf32>
      %parallel_loop3A_168 = arith.constant true
      %parallel_loop3A_169 = vector.broadcast %parallel_loop3A_168 : i1 to vector<16xi1>
      %parallel_loop3A_170 = tpu.scan <sum>, %parallel_loop3A_167 masked %parallel_loop3A_169 : vector<16xf32>, vector<16xi1> -> vector<16xf32>
      %parallel_loop3A_171 = arith.constant 0 : i32
      %parallel_loop3A_172 = arith.addi %parallel_loop3A_171, %parallel_loop3A_104 : i32
      %parallel_loop3A_173 = arith.index_cast %parallel_loop3A_172 : i32 to index
      %parallel_loop3A_174 = tpu.vector_load %arg7[%parallel_loop3A_173] masked %eq3A_31 {strides = array<i32>} : memref<528xf32, #tpu.memory_space<vmem>>, vector<16xf32>, vector<16xi1>
      tpu.vector_store %arg7[%parallel_loop3A_173], %parallel_loop3A_170 masked %eq3A_31 {strides = array<i32>} : memref<528xf32, #tpu.memory_space<vmem>>, vector<16xf32>, vector<16xi1>
    } {sc.loop_unroll_factor = 1 : i64, sc.parallel_access}
    %dma_start3A_34 = arith.constant 256 : i32
    %dma_start3A_35 = tpu.memref_slice %arg6[%dma_start3A_34] : memref<512xi32, #tpu.memory_space<vmem>> -> memref<128xi32, #tpu.memory_space<vmem>>
    %dma_start3A_36 = arith.constant 0 : i32
    %dma_start3A_37 = arith.constant 0 : i32
    %dma_start3A_38 = tpu.memref_slice %arg4[%dma_start3A_36, %dma_start3A_37] : memref<100000x128xf32, #tpu.memory_space<hbm>> -> memref<100000x128xf32, #tpu.memory_space<hbm>>
    tpu.enqueue_indirect_dma source(%dma_start3A_38 : memref<100000x128xf32, #tpu.memory_space<hbm>>) target(%arg8 : memref<128x128xf32, #tpu.memory_space<vmem>>) offsets(%dma_start3A_35 : memref<128xi32, #tpu.memory_space<vmem>>) semaphore(%arg12 : memref<!tpu.dma_semaphore, #tpu.memory_space<semaphore_mem>>)
    %add3A_39 = arith.constant 256 : i32
    %add3A_40 = arith.addi %mul3A_2, %add3A_39 : i32
    %dma_start3A_41 = arith.constant 0 : i32
    %dma_start3A_42 = tpu.memref_slice %arg2[%add3A_40, %dma_start3A_41] : memref<16384x128xf32, #tpu.memory_space<hbm>> -> memref<128x128xf32, #tpu.memory_space<hbm>>
    %dma_start3A_43 = arith.constant 0 : i32
    %dma_start3A_44 = tpu.memref_slice %arg2[%add3A_40, %dma_start3A_43] : memref<16384x128xf32, #tpu.memory_space<hbm>> -> memref<128x128xf32, #tpu.memory_space<hbm>>
    tpu.enqueue_dma source(%dma_start3A_44 : memref<128x128xf32, #tpu.memory_space<hbm>>) target(%arg10 : memref<128x128xf32, #tpu.memory_space<vmem>>) target_semaphore(%arg12 : memref<!tpu.dma_semaphore, #tpu.memory_space<semaphore_mem>>)
    %dma_wait3A_45 = arith.constant 128 : i32
    %dma_wait3A_46 = tpu.memref_slice %arg6[%dma_wait3A_45] : memref<512xi32, #tpu.memory_space<vmem>> -> memref<128xi32, #tpu.memory_space<vmem>>
    %dma_wait3A_47 = arith.constant 0 : i32
    %dma_wait3A_48 = arith.constant 0 : i32
    %dma_wait3A_49 = tpu.memref_slice %arg4[%dma_wait3A_47, %dma_wait3A_48] : memref<100000x128xf32, #tpu.memory_space<hbm>> -> memref<100000x128xf32, #tpu.memory_space<hbm>>
    tpu.wait_indirect_dma semaphore(%arg13 : memref<!tpu.dma_semaphore, #tpu.memory_space<semaphore_mem>>) src(%dma_wait3A_49 : memref<100000x128xf32, #tpu.memory_space<hbm>>) dst(%arg9 : memref<128x128xf32, #tpu.memory_space<vmem>>)
    %dma_wait3A_50 = arith.constant 0 : i32
    %dma_wait3A_51 = tpu.memref_slice %arg2[%add3A_17, %dma_wait3A_50] : memref<16384x128xf32, #tpu.memory_space<hbm>> -> memref<128x128xf32, #tpu.memory_space<hbm>>
    %dma_wait3A_52 = arith.constant 0 : i32
    %dma_wait3A_53 = tpu.memref_slice %arg2[%add3A_17, %dma_wait3A_52] : memref<16384x128xf32, #tpu.memory_space<hbm>> -> memref<128x128xf32, #tpu.memory_space<hbm>>
    tpu.wait_dma2 semaphore(%arg13 : memref<!tpu.dma_semaphore, #tpu.memory_space<semaphore_mem>>) src(%dma_wait3A_53 : memref<128x128xf32, #tpu.memory_space<hbm>>) dst(%arg11 : memref<128x128xf32, #tpu.memory_space<vmem>>)
    %iota3A_54 = tpu.iota {dimensions = array<i32: 0>} : vector<16xi32>
    %eq3A_55 = arith.constant 15 : i32
    %eq3A_56 = vector.broadcast %eq3A_55 : i32 to vector<16xi32>
    %eq3A_57 = arith.cmpi eq, %iota3A_54, %eq3A_56 : vector<16xi32>
    %parallel_loop3A_58 = arith.constant 0 : i32
    %parallel_loop3A_59 = arith.constant 128 : i32
    %parallel_loop3A_60 = arith.constant 1 : i32
    scf.for %parallel_loop3A_104 = %parallel_loop3A_58 to %parallel_loop3A_59 step %parallel_loop3A_60  : i32 {
      %parallel_loop3A_105 = arith.index_cast %parallel_loop3A_104 : i32 to index
      %parallel_loop3A_106 = arith.constant 0 : index
      %parallel_loop3A_107 = tpu.vector_load %arg11[%parallel_loop3A_105, %parallel_loop3A_106] {strides = array<i32>} : memref<128x128xf32, #tpu.memory_space<vmem>>, vector<16xf32>,
      %parallel_loop3A_108 = arith.index_cast %parallel_loop3A_104 : i32 to index
      %parallel_loop3A_109 = arith.constant 0 : index
      %parallel_loop3A_110 = tpu.vector_load %arg9[%parallel_loop3A_108, %parallel_loop3A_109] {strides = array<i32>} : memref<128x128xf32, #tpu.memory_space<vmem>>, vector<16xf32>,
      %parallel_loop3A_111 = arith.mulf %parallel_loop3A_107, %parallel_loop3A_110 : vector<16xf32>
      %parallel_loop3A_112 = arith.index_cast %parallel_loop3A_104 : i32 to index
      %parallel_loop3A_113 = arith.constant 16 : index
      %parallel_loop3A_114 = tpu.vector_load %arg11[%parallel_loop3A_112, %parallel_loop3A_113] {strides = array<i32>} : memref<128x128xf32, #tpu.memory_space<vmem>>, vector<16xf32>,
      %parallel_loop3A_115 = arith.index_cast %parallel_loop3A_104 : i32 to index
      %parallel_loop3A_116 = arith.constant 16 : index
      %parallel_loop3A_117 = tpu.vector_load %arg9[%parallel_loop3A_115, %parallel_loop3A_116] {strides = array<i32>} : memref<128x128xf32, #tpu.memory_space<vmem>>, vector<16xf32>,
      %parallel_loop3A_118 = arith.mulf %parallel_loop3A_114, %parallel_loop3A_117 : vector<16xf32>
      %parallel_loop3A_119 = arith.index_cast %parallel_loop3A_104 : i32 to index
      %parallel_loop3A_120 = arith.constant 32 : index
      %parallel_loop3A_121 = tpu.vector_load %arg11[%parallel_loop3A_119, %parallel_loop3A_120] {strides = array<i32>} : memref<128x128xf32, #tpu.memory_space<vmem>>, vector<16xf32>,
      %parallel_loop3A_122 = arith.index_cast %parallel_loop3A_104 : i32 to index
      %parallel_loop3A_123 = arith.constant 32 : index
      %parallel_loop3A_124 = tpu.vector_load %arg9[%parallel_loop3A_122, %parallel_loop3A_123] {strides = array<i32>} : memref<128x128xf32, #tpu.memory_space<vmem>>, vector<16xf32>,
      %parallel_loop3A_125 = arith.mulf %parallel_loop3A_121, %parallel_loop3A_124 : vector<16xf32>
      %parallel_loop3A_126 = arith.index_cast %parallel_loop3A_104 : i32 to index
      %parallel_loop3A_127 = arith.constant 48 : index
      %parallel_loop3A_128 = tpu.vector_load %arg11[%parallel_loop3A_126, %parallel_loop3A_127] {strides = array<i32>} : memref<128x128xf32, #tpu.memory_space<vmem>>, vector<16xf32>,
      %parallel_loop3A_129 = arith.index_cast %parallel_loop3A_104 : i32 to index
      %parallel_loop3A_130 = arith.constant 48 : index
      %parallel_loop3A_131 = tpu.vector_load %arg9[%parallel_loop3A_129, %parallel_loop3A_130] {strides = array<i32>} : memref<128x128xf32, #tpu.memory_space<vmem>>, vector<16xf32>,
      %parallel_loop3A_132 = arith.mulf %parallel_loop3A_128, %parallel_loop3A_131 : vector<16xf32>
      %parallel_loop3A_133 = arith.index_cast %parallel_loop3A_104 : i32 to index
      %parallel_loop3A_134 = arith.constant 64 : index
      %parallel_loop3A_135 = tpu.vector_load %arg11[%parallel_loop3A_133, %parallel_loop3A_134] {strides = array<i32>} : memref<128x128xf32, #tpu.memory_space<vmem>>, vector<16xf32>,
      %parallel_loop3A_136 = arith.index_cast %parallel_loop3A_104 : i32 to index
      %parallel_loop3A_137 = arith.constant 64 : index
      %parallel_loop3A_138 = tpu.vector_load %arg9[%parallel_loop3A_136, %parallel_loop3A_137] {strides = array<i32>} : memref<128x128xf32, #tpu.memory_space<vmem>>, vector<16xf32>,
      %parallel_loop3A_139 = arith.mulf %parallel_loop3A_135, %parallel_loop3A_138 : vector<16xf32>
      %parallel_loop3A_140 = arith.index_cast %parallel_loop3A_104 : i32 to index
      %parallel_loop3A_141 = arith.constant 80 : index
      %parallel_loop3A_142 = tpu.vector_load %arg11[%parallel_loop3A_140, %parallel_loop3A_141] {strides = array<i32>} : memref<128x128xf32, #tpu.memory_space<vmem>>, vector<16xf32>,
      %parallel_loop3A_143 = arith.index_cast %parallel_loop3A_104 : i32 to index
      %parallel_loop3A_144 = arith.constant 80 : index
      %parallel_loop3A_145 = tpu.vector_load %arg9[%parallel_loop3A_143, %parallel_loop3A_144] {strides = array<i32>} : memref<128x128xf32, #tpu.memory_space<vmem>>, vector<16xf32>,
      %parallel_loop3A_146 = arith.mulf %parallel_loop3A_142, %parallel_loop3A_145 : vector<16xf32>
      %parallel_loop3A_147 = arith.index_cast %parallel_loop3A_104 : i32 to index
      %parallel_loop3A_148 = arith.constant 96 : index
      %parallel_loop3A_149 = tpu.vector_load %arg11[%parallel_loop3A_147, %parallel_loop3A_148] {strides = array<i32>} : memref<128x128xf32, #tpu.memory_space<vmem>>, vector<16xf32>,
      %parallel_loop3A_150 = arith.index_cast %parallel_loop3A_104 : i32 to index
      %parallel_loop3A_151 = arith.constant 96 : index
      %parallel_loop3A_152 = tpu.vector_load %arg9[%parallel_loop3A_150, %parallel_loop3A_151] {strides = array<i32>} : memref<128x128xf32, #tpu.memory_space<vmem>>, vector<16xf32>,
      %parallel_loop3A_153 = arith.mulf %parallel_loop3A_149, %parallel_loop3A_152 : vector<16xf32>
      %parallel_loop3A_154 = arith.index_cast %parallel_loop3A_104 : i32 to index
      %parallel_loop3A_155 = arith.constant 112 : index
      %parallel_loop3A_156 = tpu.vector_load %arg11[%parallel_loop3A_154, %parallel_loop3A_155] {strides = array<i32>} : memref<128x128xf32, #tpu.memory_space<vmem>>, vector<16xf32>,
      %parallel_loop3A_157 = arith.index_cast %parallel_loop3A_104 : i32 to index
      %parallel_loop3A_158 = arith.constant 112 : index
      %parallel_loop3A_159 = tpu.vector_load %arg9[%parallel_loop3A_157, %parallel_loop3A_158] {strides = array<i32>} : memref<128x128xf32, #tpu.memory_space<vmem>>, vector<16xf32>,
      %parallel_loop3A_160 = arith.mulf %parallel_loop3A_156, %parallel_loop3A_159 : vector<16xf32>
      %parallel_loop3A_161 = arith.addf %parallel_loop3A_111, %parallel_loop3A_118 : vector<16xf32>
      %parallel_loop3A_162 = arith.addf %parallel_loop3A_125, %parallel_loop3A_132 : vector<16xf32>
      %parallel_loop3A_163 = arith.addf %parallel_loop3A_139, %parallel_loop3A_146 : vector<16xf32>
      %parallel_loop3A_164 = arith.addf %parallel_loop3A_153, %parallel_loop3A_160 : vector<16xf32>
      %parallel_loop3A_165 = arith.addf %parallel_loop3A_161, %parallel_loop3A_162 : vector<16xf32>
      %parallel_loop3A_166 = arith.addf %parallel_loop3A_163, %parallel_loop3A_164 : vector<16xf32>
      %parallel_loop3A_167 = arith.addf %parallel_loop3A_165, %parallel_loop3A_166 : vector<16xf32>
      %parallel_loop3A_168 = arith.constant true
      %parallel_loop3A_169 = vector.broadcast %parallel_loop3A_168 : i1 to vector<16xi1>
      %parallel_loop3A_170 = tpu.scan <sum>, %parallel_loop3A_167 masked %parallel_loop3A_169 : vector<16xf32>, vector<16xi1> -> vector<16xf32>
      %parallel_loop3A_171 = arith.constant 128 : i32
      %parallel_loop3A_172 = arith.addi %parallel_loop3A_171, %parallel_loop3A_104 : i32
      %parallel_loop3A_173 = arith.index_cast %parallel_loop3A_172 : i32 to index
      %parallel_loop3A_174 = tpu.vector_load %arg7[%parallel_loop3A_173] masked %eq3A_57 {strides = array<i32>} : memref<528xf32, #tpu.memory_space<vmem>>, vector<16xf32>, vector<16xi1>
      tpu.vector_store %arg7[%parallel_loop3A_173], %parallel_loop3A_170 masked %eq3A_57 {strides = array<i32>} : memref<528xf32, #tpu.memory_space<vmem>>, vector<16xf32>, vector<16xi1>
    } {sc.loop_unroll_factor = 1 : i64, sc.parallel_access}
    %dma_start3A_61 = arith.constant 384 : i32
    %dma_start3A_62 = tpu.memref_slice %arg6[%dma_start3A_61] : memref<512xi32, #tpu.memory_space<vmem>> -> memref<128xi32, #tpu.memory_space<vmem>>
    %dma_start3A_63 = arith.constant 0 : i32
    %dma_start3A_64 = arith.constant 0 : i32
    %dma_start3A_65 = tpu.memref_slice %arg4[%dma_start3A_63, %dma_start3A_64] : memref<100000x128xf32, #tpu.memory_space<hbm>> -> memref<100000x128xf32, #tpu.memory_space<hbm>>
    tpu.enqueue_indirect_dma source(%dma_start3A_65 : memref<100000x128xf32, #tpu.memory_space<hbm>>) target(%arg9 : memref<128x128xf32, #tpu.memory_space<vmem>>) offsets(%dma_start3A_62 : memref<128xi32, #tpu.memory_space<vmem>>) semaphore(%arg13 : memref<!tpu.dma_semaphore, #tpu.memory_space<semaphore_mem>>)
    %add3A_66 = arith.constant 384 : i32
    %add3A_67 = arith.addi %mul3A_2, %add3A_66 : i32
    %dma_start3A_68 = arith.constant 0 : i32
    %dma_start3A_69 = tpu.memref_slice %arg2[%add3A_67, %dma_start3A_68] : memref<16384x128xf32, #tpu.memory_space<hbm>> -> memref<128x128xf32, #tpu.memory_space<hbm>>
    %dma_start3A_70 = arith.constant 0 : i32
    %dma_start3A_71 = tpu.memref_slice %arg2[%add3A_67, %dma_start3A_70] : memref<16384x128xf32, #tpu.memory_space<hbm>> -> memref<128x128xf32, #tpu.memory_space<hbm>>
    tpu.enqueue_dma source(%dma_start3A_71 : memref<128x128xf32, #tpu.memory_space<hbm>>) target(%arg11 : memref<128x128xf32, #tpu.memory_space<vmem>>) target_semaphore(%arg13 : memref<!tpu.dma_semaphore, #tpu.memory_space<semaphore_mem>>)
    %dma_wait3A_72 = arith.constant 256 : i32
    %dma_wait3A_73 = tpu.memref_slice %arg6[%dma_wait3A_72] : memref<512xi32, #tpu.memory_space<vmem>> -> memref<128xi32, #tpu.memory_space<vmem>>
    %dma_wait3A_74 = arith.constant 0 : i32
    %dma_wait3A_75 = arith.constant 0 : i32
    %dma_wait3A_76 = tpu.memref_slice %arg4[%dma_wait3A_74, %dma_wait3A_75] : memref<100000x128xf32, #tpu.memory_space<hbm>> -> memref<100000x128xf32, #tpu.memory_space<hbm>>
    tpu.wait_indirect_dma semaphore(%arg12 : memref<!tpu.dma_semaphore, #tpu.memory_space<semaphore_mem>>) src(%dma_wait3A_76 : memref<100000x128xf32, #tpu.memory_space<hbm>>) dst(%arg8 : memref<128x128xf32, #tpu.memory_space<vmem>>)
    %dma_wait3A_77 = arith.constant 0 : i32
    %dma_wait3A_78 = tpu.memref_slice %arg2[%add3A_40, %dma_wait3A_77] : memref<16384x128xf32, #tpu.memory_space<hbm>> -> memref<128x128xf32, #tpu.memory_space<hbm>>
    %dma_wait3A_79 = arith.constant 0 : i32
    %dma_wait3A_80 = tpu.memref_slice %arg2[%add3A_40, %dma_wait3A_79] : memref<16384x128xf32, #tpu.memory_space<hbm>> -> memref<128x128xf32, #tpu.memory_space<hbm>>
    tpu.wait_dma2 semaphore(%arg12 : memref<!tpu.dma_semaphore, #tpu.memory_space<semaphore_mem>>) src(%dma_wait3A_80 : memref<128x128xf32, #tpu.memory_space<hbm>>) dst(%arg10 : memref<128x128xf32, #tpu.memory_space<vmem>>)
    %iota3A_81 = tpu.iota {dimensions = array<i32: 0>} : vector<16xi32>
    %eq3A_82 = arith.constant 15 : i32
    %eq3A_83 = vector.broadcast %eq3A_82 : i32 to vector<16xi32>
    %eq3A_84 = arith.cmpi eq, %iota3A_81, %eq3A_83 : vector<16xi32>
    %parallel_loop3A_85 = arith.constant 0 : i32
    %parallel_loop3A_86 = arith.constant 128 : i32
    %parallel_loop3A_87 = arith.constant 1 : i32
    scf.for %parallel_loop3A_104 = %parallel_loop3A_85 to %parallel_loop3A_86 step %parallel_loop3A_87  : i32 {
      %parallel_loop3A_105 = arith.index_cast %parallel_loop3A_104 : i32 to index
      %parallel_loop3A_106 = arith.constant 0 : index
      %parallel_loop3A_107 = tpu.vector_load %arg10[%parallel_loop3A_105, %parallel_loop3A_106] {strides = array<i32>} : memref<128x128xf32, #tpu.memory_space<vmem>>, vector<16xf32>,
      %parallel_loop3A_108 = arith.index_cast %parallel_loop3A_104 : i32 to index
      %parallel_loop3A_109 = arith.constant 0 : index
      %parallel_loop3A_110 = tpu.vector_load %arg8[%parallel_loop3A_108, %parallel_loop3A_109] {strides = array<i32>} : memref<128x128xf32, #tpu.memory_space<vmem>>, vector<16xf32>,
      %parallel_loop3A_111 = arith.mulf %parallel_loop3A_107, %parallel_loop3A_110 : vector<16xf32>
      %parallel_loop3A_112 = arith.index_cast %parallel_loop3A_104 : i32 to index
      %parallel_loop3A_113 = arith.constant 16 : index
      %parallel_loop3A_114 = tpu.vector_load %arg10[%parallel_loop3A_112, %parallel_loop3A_113] {strides = array<i32>} : memref<128x128xf32, #tpu.memory_space<vmem>>, vector<16xf32>,
      %parallel_loop3A_115 = arith.index_cast %parallel_loop3A_104 : i32 to index
      %parallel_loop3A_116 = arith.constant 16 : index
      %parallel_loop3A_117 = tpu.vector_load %arg8[%parallel_loop3A_115, %parallel_loop3A_116] {strides = array<i32>} : memref<128x128xf32, #tpu.memory_space<vmem>>, vector<16xf32>,
      %parallel_loop3A_118 = arith.mulf %parallel_loop3A_114, %parallel_loop3A_117 : vector<16xf32>
      %parallel_loop3A_119 = arith.index_cast %parallel_loop3A_104 : i32 to index
      %parallel_loop3A_120 = arith.constant 32 : index
      %parallel_loop3A_121 = tpu.vector_load %arg10[%parallel_loop3A_119, %parallel_loop3A_120] {strides = array<i32>} : memref<128x128xf32, #tpu.memory_space<vmem>>, vector<16xf32>,
      %parallel_loop3A_122 = arith.index_cast %parallel_loop3A_104 : i32 to index
      %parallel_loop3A_123 = arith.constant 32 : index
      %parallel_loop3A_124 = tpu.vector_load %arg8[%parallel_loop3A_122, %parallel_loop3A_123] {strides = array<i32>} : memref<128x128xf32, #tpu.memory_space<vmem>>, vector<16xf32>,
      %parallel_loop3A_125 = arith.mulf %parallel_loop3A_121, %parallel_loop3A_124 : vector<16xf32>
      %parallel_loop3A_126 = arith.index_cast %parallel_loop3A_104 : i32 to index
      %parallel_loop3A_127 = arith.constant 48 : index
      %parallel_loop3A_128 = tpu.vector_load %arg10[%parallel_loop3A_126, %parallel_loop3A_127] {strides = array<i32>} : memref<128x128xf32, #tpu.memory_space<vmem>>, vector<16xf32>,
      %parallel_loop3A_129 = arith.index_cast %parallel_loop3A_104 : i32 to index
      %parallel_loop3A_130 = arith.constant 48 : index
      %parallel_loop3A_131 = tpu.vector_load %arg8[%parallel_loop3A_129, %parallel_loop3A_130] {strides = array<i32>} : memref<128x128xf32, #tpu.memory_space<vmem>>, vector<16xf32>,
      %parallel_loop3A_132 = arith.mulf %parallel_loop3A_128, %parallel_loop3A_131 : vector<16xf32>
      %parallel_loop3A_133 = arith.index_cast %parallel_loop3A_104 : i32 to index
      %parallel_loop3A_134 = arith.constant 64 : index
      %parallel_loop3A_135 = tpu.vector_load %arg10[%parallel_loop3A_133, %parallel_loop3A_134] {strides = array<i32>} : memref<128x128xf32, #tpu.memory_space<vmem>>, vector<16xf32>,
      %parallel_loop3A_136 = arith.index_cast %parallel_loop3A_104 : i32 to index
      %parallel_loop3A_137 = arith.constant 64 : index
      %parallel_loop3A_138 = tpu.vector_load %arg8[%parallel_loop3A_136, %parallel_loop3A_137] {strides = array<i32>} : memref<128x128xf32, #tpu.memory_space<vmem>>, vector<16xf32>,
      %parallel_loop3A_139 = arith.mulf %parallel_loop3A_135, %parallel_loop3A_138 : vector<16xf32>
      %parallel_loop3A_140 = arith.index_cast %parallel_loop3A_104 : i32 to index
      %parallel_loop3A_141 = arith.constant 80 : index
      %parallel_loop3A_142 = tpu.vector_load %arg10[%parallel_loop3A_140, %parallel_loop3A_141] {strides = array<i32>} : memref<128x128xf32, #tpu.memory_space<vmem>>, vector<16xf32>,
      %parallel_loop3A_143 = arith.index_cast %parallel_loop3A_104 : i32 to index
      %parallel_loop3A_144 = arith.constant 80 : index
      %parallel_loop3A_145 = tpu.vector_load %arg8[%parallel_loop3A_143, %parallel_loop3A_144] {strides = array<i32>} : memref<128x128xf32, #tpu.memory_space<vmem>>, vector<16xf32>,
      %parallel_loop3A_146 = arith.mulf %parallel_loop3A_142, %parallel_loop3A_145 : vector<16xf32>
      %parallel_loop3A_147 = arith.index_cast %parallel_loop3A_104 : i32 to index
      %parallel_loop3A_148 = arith.constant 96 : index
      %parallel_loop3A_149 = tpu.vector_load %arg10[%parallel_loop3A_147, %parallel_loop3A_148] {strides = array<i32>} : memref<128x128xf32, #tpu.memory_space<vmem>>, vector<16xf32>,
      %parallel_loop3A_150 = arith.index_cast %parallel_loop3A_104 : i32 to index
      %parallel_loop3A_151 = arith.constant 96 : index
      %parallel_loop3A_152 = tpu.vector_load %arg8[%parallel_loop3A_150, %parallel_loop3A_151] {strides = array<i32>} : memref<128x128xf32, #tpu.memory_space<vmem>>, vector<16xf32>,
      %parallel_loop3A_153 = arith.mulf %parallel_loop3A_149, %parallel_loop3A_152 : vector<16xf32>
      %parallel_loop3A_154 = arith.index_cast %parallel_loop3A_104 : i32 to index
      %parallel_loop3A_155 = arith.constant 112 : index
      %parallel_loop3A_156 = tpu.vector_load %arg10[%parallel_loop3A_154, %parallel_loop3A_155] {strides = array<i32>} : memref<128x128xf32, #tpu.memory_space<vmem>>, vector<16xf32>,
      %parallel_loop3A_157 = arith.index_cast %parallel_loop3A_104 : i32 to index
      %parallel_loop3A_158 = arith.constant 112 : index
      %parallel_loop3A_159 = tpu.vector_load %arg8[%parallel_loop3A_157, %parallel_loop3A_158] {strides = array<i32>} : memref<128x128xf32, #tpu.memory_space<vmem>>, vector<16xf32>,
      %parallel_loop3A_160 = arith.mulf %parallel_loop3A_156, %parallel_loop3A_159 : vector<16xf32>
      %parallel_loop3A_161 = arith.addf %parallel_loop3A_111, %parallel_loop3A_118 : vector<16xf32>
      %parallel_loop3A_162 = arith.addf %parallel_loop3A_125, %parallel_loop3A_132 : vector<16xf32>
      %parallel_loop3A_163 = arith.addf %parallel_loop3A_139, %parallel_loop3A_146 : vector<16xf32>
      %parallel_loop3A_164 = arith.addf %parallel_loop3A_153, %parallel_loop3A_160 : vector<16xf32>
      %parallel_loop3A_165 = arith.addf %parallel_loop3A_161, %parallel_loop3A_162 : vector<16xf32>
      %parallel_loop3A_166 = arith.addf %parallel_loop3A_163, %parallel_loop3A_164 : vector<16xf32>
      %parallel_loop3A_167 = arith.addf %parallel_loop3A_165, %parallel_loop3A_166 : vector<16xf32>
      %parallel_loop3A_168 = arith.constant true
      %parallel_loop3A_169 = vector.broadcast %parallel_loop3A_168 : i1 to vector<16xi1>
      %parallel_loop3A_170 = tpu.scan <sum>, %parallel_loop3A_167 masked %parallel_loop3A_169 : vector<16xf32>, vector<16xi1> -> vector<16xf32>
      %parallel_loop3A_171 = arith.constant 256 : i32
      %parallel_loop3A_172 = arith.addi %parallel_loop3A_171, %parallel_loop3A_104 : i32
      %parallel_loop3A_173 = arith.index_cast %parallel_loop3A_172 : i32 to index
      %parallel_loop3A_174 = tpu.vector_load %arg7[%parallel_loop3A_173] masked %eq3A_84 {strides = array<i32>} : memref<528xf32, #tpu.memory_space<vmem>>, vector<16xf32>, vector<16xi1>
      tpu.vector_store %arg7[%parallel_loop3A_173], %parallel_loop3A_170 masked %eq3A_84 {strides = array<i32>} : memref<528xf32, #tpu.memory_space<vmem>>, vector<16xf32>, vector<16xi1>
    } {sc.loop_unroll_factor = 1 : i64, sc.parallel_access}
    %dma_wait3A_88 = arith.constant 384 : i32
    %dma_wait3A_89 = tpu.memref_slice %arg6[%dma_wait3A_88] : memref<512xi32, #tpu.memory_space<vmem>> -> memref<128xi32, #tpu.memory_space<vmem>>
    %dma_wait3A_90 = arith.constant 0 : i32
    %dma_wait3A_91 = arith.constant 0 : i32
    %dma_wait3A_92 = tpu.memref_slice %arg4[%dma_wait3A_90, %dma_wait3A_91] : memref<100000x128xf32, #tpu.memory_space<hbm>> -> memref<100000x128xf32, #tpu.memory_space<hbm>>
    tpu.wait_indirect_dma semaphore(%arg13 : memref<!tpu.dma_semaphore, #tpu.memory_space<semaphore_mem>>) src(%dma_wait3A_92 : memref<100000x128xf32, #tpu.memory_space<hbm>>) dst(%arg9 : memref<128x128xf32, #tpu.memory_space<vmem>>)
    %dma_wait3A_93 = arith.constant 0 : i32
    %dma_wait3A_94 = tpu.memref_slice %arg2[%add3A_67, %dma_wait3A_93] : memref<16384x128xf32, #tpu.memory_space<hbm>> -> memref<128x128xf32, #tpu.memory_space<hbm>>
    %dma_wait3A_95 = arith.constant 0 : i32
    %dma_wait3A_96 = tpu.memref_slice %arg2[%add3A_67, %dma_wait3A_95] : memref<16384x128xf32, #tpu.memory_space<hbm>> -> memref<128x128xf32, #tpu.memory_space<hbm>>
    tpu.wait_dma2 semaphore(%arg13 : memref<!tpu.dma_semaphore, #tpu.memory_space<semaphore_mem>>) src(%dma_wait3A_96 : memref<128x128xf32, #tpu.memory_space<hbm>>) dst(%arg11 : memref<128x128xf32, #tpu.memory_space<vmem>>)
    %iota3A_97 = tpu.iota {dimensions = array<i32: 0>} : vector<16xi32>
    %eq3A_98 = arith.constant 15 : i32
    %eq3A_99 = vector.broadcast %eq3A_98 : i32 to vector<16xi32>
    %eq3A_100 = arith.cmpi eq, %iota3A_97, %eq3A_99 : vector<16xi32>
    %parallel_loop3A_101 = arith.constant 0 : i32
    %parallel_loop3A_102 = arith.constant 128 : i32
    %parallel_loop3A_103 = arith.constant 1 : i32
    scf.for %parallel_loop3A_104 = %parallel_loop3A_101 to %parallel_loop3A_102 step %parallel_loop3A_103  : i32 {
      %parallel_loop3A_105 = arith.index_cast %parallel_loop3A_104 : i32 to index
      %parallel_loop3A_106 = arith.constant 0 : index
      %parallel_loop3A_107 = tpu.vector_load %arg11[%parallel_loop3A_105, %parallel_loop3A_106] {strides = array<i32>} : memref<128x128xf32, #tpu.memory_space<vmem>>, vector<16xf32>,
      %parallel_loop3A_108 = arith.index_cast %parallel_loop3A_104 : i32 to index
      %parallel_loop3A_109 = arith.constant 0 : index
      %parallel_loop3A_110 = tpu.vector_load %arg9[%parallel_loop3A_108, %parallel_loop3A_109] {strides = array<i32>} : memref<128x128xf32, #tpu.memory_space<vmem>>, vector<16xf32>,
      %parallel_loop3A_111 = arith.mulf %parallel_loop3A_107, %parallel_loop3A_110 : vector<16xf32>
      %parallel_loop3A_112 = arith.index_cast %parallel_loop3A_104 : i32 to index
      %parallel_loop3A_113 = arith.constant 16 : index
      %parallel_loop3A_114 = tpu.vector_load %arg11[%parallel_loop3A_112, %parallel_loop3A_113] {strides = array<i32>} : memref<128x128xf32, #tpu.memory_space<vmem>>, vector<16xf32>,
      %parallel_loop3A_115 = arith.index_cast %parallel_loop3A_104 : i32 to index
      %parallel_loop3A_116 = arith.constant 16 : index
      %parallel_loop3A_117 = tpu.vector_load %arg9[%parallel_loop3A_115, %parallel_loop3A_116] {strides = array<i32>} : memref<128x128xf32, #tpu.memory_space<vmem>>, vector<16xf32>,
      %parallel_loop3A_118 = arith.mulf %parallel_loop3A_114, %parallel_loop3A_117 : vector<16xf32>
      %parallel_loop3A_119 = arith.index_cast %parallel_loop3A_104 : i32 to index
      %parallel_loop3A_120 = arith.constant 32 : index
      %parallel_loop3A_121 = tpu.vector_load %arg11[%parallel_loop3A_119, %parallel_loop3A_120] {strides = array<i32>} : memref<128x128xf32, #tpu.memory_space<vmem>>, vector<16xf32>,
      %parallel_loop3A_122 = arith.index_cast %parallel_loop3A_104 : i32 to index
      %parallel_loop3A_123 = arith.constant 32 : index
      %parallel_loop3A_124 = tpu.vector_load %arg9[%parallel_loop3A_122, %parallel_loop3A_123] {strides = array<i32>} : memref<128x128xf32, #tpu.memory_space<vmem>>, vector<16xf32>,
      %parallel_loop3A_125 = arith.mulf %parallel_loop3A_121, %parallel_loop3A_124 : vector<16xf32>
      %parallel_loop3A_126 = arith.index_cast %parallel_loop3A_104 : i32 to index
      %parallel_loop3A_127 = arith.constant 48 : index
      %parallel_loop3A_128 = tpu.vector_load %arg11[%parallel_loop3A_126, %parallel_loop3A_127] {strides = array<i32>} : memref<128x128xf32, #tpu.memory_space<vmem>>, vector<16xf32>,
      %parallel_loop3A_129 = arith.index_cast %parallel_loop3A_104 : i32 to index
      %parallel_loop3A_130 = arith.constant 48 : index
      %parallel_loop3A_131 = tpu.vector_load %arg9[%parallel_loop3A_129, %parallel_loop3A_130] {strides = array<i32>} : memref<128x128xf32, #tpu.memory_space<vmem>>, vector<16xf32>,
      %parallel_loop3A_132 = arith.mulf %parallel_loop3A_128, %parallel_loop3A_131 : vector<16xf32>
      %parallel_loop3A_133 = arith.index_cast %parallel_loop3A_104 : i32 to index
      %parallel_loop3A_134 = arith.constant 64 : index
      %parallel_loop3A_135 = tpu.vector_load %arg11[%parallel_loop3A_133, %parallel_loop3A_134] {strides = array<i32>} : memref<128x128xf32, #tpu.memory_space<vmem>>, vector<16xf32>,
      %parallel_loop3A_136 = arith.index_cast %parallel_loop3A_104 : i32 to index
      %parallel_loop3A_137 = arith.constant 64 : index
      %parallel_loop3A_138 = tpu.vector_load %arg9[%parallel_loop3A_136, %parallel_loop3A_137] {strides = array<i32>} : memref<128x128xf32, #tpu.memory_space<vmem>>, vector<16xf32>,
      %parallel_loop3A_139 = arith.mulf %parallel_loop3A_135, %parallel_loop3A_138 : vector<16xf32>
      %parallel_loop3A_140 = arith.index_cast %parallel_loop3A_104 : i32 to index
      %parallel_loop3A_141 = arith.constant 80 : index
      %parallel_loop3A_142 = tpu.vector_load %arg11[%parallel_loop3A_140, %parallel_loop3A_141] {strides = array<i32>} : memref<128x128xf32, #tpu.memory_space<vmem>>, vector<16xf32>,
      %parallel_loop3A_143 = arith.index_cast %parallel_loop3A_104 : i32 to index
      %parallel_loop3A_144 = arith.constant 80 : index
      %parallel_loop3A_145 = tpu.vector_load %arg9[%parallel_loop3A_143, %parallel_loop3A_144] {strides = array<i32>} : memref<128x128xf32, #tpu.memory_space<vmem>>, vector<16xf32>,
      %parallel_loop3A_146 = arith.mulf %parallel_loop3A_142, %parallel_loop3A_145 : vector<16xf32>
      %parallel_loop3A_147 = arith.index_cast %parallel_loop3A_104 : i32 to index
      %parallel_loop3A_148 = arith.constant 96 : index
      %parallel_loop3A_149 = tpu.vector_load %arg11[%parallel_loop3A_147, %parallel_loop3A_148] {strides = array<i32>} : memref<128x128xf32, #tpu.memory_space<vmem>>, vector<16xf32>,
      %parallel_loop3A_150 = arith.index_cast %parallel_loop3A_104 : i32 to index
      %parallel_loop3A_151 = arith.constant 96 : index
      %parallel_loop3A_152 = tpu.vector_load %arg9[%parallel_loop3A_150, %parallel_loop3A_151] {strides = array<i32>} : memref<128x128xf32, #tpu.memory_space<vmem>>, vector<16xf32>,
      %parallel_loop3A_153 = arith.mulf %parallel_loop3A_149, %parallel_loop3A_152 : vector<16xf32>
      %parallel_loop3A_154 = arith.index_cast %parallel_loop3A_104 : i32 to index
      %parallel_loop3A_155 = arith.constant 112 : index
      %parallel_loop3A_156 = tpu.vector_load %arg11[%parallel_loop3A_154, %parallel_loop3A_155] {strides = array<i32>} : memref<128x128xf32, #tpu.memory_space<vmem>>, vector<16xf32>,
      %parallel_loop3A_157 = arith.index_cast %parallel_loop3A_104 : i32 to index
      %parallel_loop3A_158 = arith.constant 112 : index
      %parallel_loop3A_159 = tpu.vector_load %arg9[%parallel_loop3A_157, %parallel_loop3A_158] {strides = array<i32>} : memref<128x128xf32, #tpu.memory_space<vmem>>, vector<16xf32>,
      %parallel_loop3A_160 = arith.mulf %parallel_loop3A_156, %parallel_loop3A_159 : vector<16xf32>
      %parallel_loop3A_161 = arith.addf %parallel_loop3A_111, %parallel_loop3A_118 : vector<16xf32>
      %parallel_loop3A_162 = arith.addf %parallel_loop3A_125, %parallel_loop3A_132 : vector<16xf32>
      %parallel_loop3A_163 = arith.addf %parallel_loop3A_139, %parallel_loop3A_146 : vector<16xf32>
      %parallel_loop3A_164 = arith.addf %parallel_loop3A_153, %parallel_loop3A_160 : vector<16xf32>
      %parallel_loop3A_165 = arith.addf %parallel_loop3A_161, %parallel_loop3A_162 : vector<16xf32>
      %parallel_loop3A_166 = arith.addf %parallel_loop3A_163, %parallel_loop3A_164 : vector<16xf32>
      %parallel_loop3A_167 = arith.addf %parallel_loop3A_165, %parallel_loop3A_166 : vector<16xf32>
      %parallel_loop3A_168 = arith.constant true
      %parallel_loop3A_169 = vector.broadcast %parallel_loop3A_168 : i1 to vector<16xi1>
      %parallel_loop3A_170 = tpu.scan <sum>, %parallel_loop3A_167 masked %parallel_loop3A_169 : vector<16xf32>, vector<16xi1> -> vector<16xf32>
      %parallel_loop3A_171 = arith.constant 384 : i32
      %parallel_loop3A_172 = arith.addi %parallel_loop3A_171, %parallel_loop3A_104 : i32
      %parallel_loop3A_173 = arith.index_cast %parallel_loop3A_172 : i32 to index
      %parallel_loop3A_174 = tpu.vector_load %arg7[%parallel_loop3A_173] masked %eq3A_100 {strides = array<i32>} : memref<528xf32, #tpu.memory_space<vmem>>, vector<16xf32>, vector<16xi1>
      tpu.vector_store %arg7[%parallel_loop3A_173], %parallel_loop3A_170 masked %eq3A_100 {strides = array<i32>} : memref<528xf32, #tpu.memory_space<vmem>>, vector<16xf32>, vector<16xi1>
    } {sc.loop_unroll_factor = 1 : i64, sc.parallel_access}
    "tpu.region"() ({
      %run_scoped3A = tpu.sem_alloc : memref<!tpu.dma_semaphore, #tpu.memory_space<semaphore_mem>>
      %dma_start3A_104 = arith.constant 0 : i32
      %dma_start3A_105 = tpu.memref_slice %arg7[%dma_start3A_104] : memref<528xf32, #tpu.memory_space<vmem>> -> memref<512xf32, #tpu.memory_space<vmem>>
      %dma_start3A_106 = tpu.memref_slice %arg5[%mul3A_2] : memref<16384xf32, #tpu.memory_space<hbm>> -> memref<512xf32, #tpu.memory_space<hbm>>
      %dma_start3A_107 = tpu.memref_slice %arg5[%mul3A_2] : memref<16384xf32, #tpu.memory_space<hbm>> -> memref<512xf32, #tpu.memory_space<hbm>>
      %dma_start3A_108 = arith.constant 0 : i32
      %dma_start3A_109 = tpu.memref_slice %arg7[%dma_start3A_108] : memref<528xf32, #tpu.memory_space<vmem>> -> memref<512xf32, #tpu.memory_space<vmem>>
      tpu.enqueue_dma source(%dma_start3A_109 : memref<512xf32, #tpu.memory_space<vmem>>) target(%dma_start3A_107 : memref<512xf32, #tpu.memory_space<hbm>>) target_semaphore(%run_scoped3A : memref<!tpu.dma_semaphore, #tpu.memory_space<semaphore_mem>>)
      %dma_wait3A_110 = arith.constant 0 : i32
      %dma_wait3A_111 = tpu.memref_slice %arg7[%dma_wait3A_110] : memref<528xf32, #tpu.memory_space<vmem>> -> memref<512xf32, #tpu.memory_space<vmem>>
      %dma_wait3A_112 = tpu.memref_slice %arg5[%mul3A_2] : memref<16384xf32, #tpu.memory_space<hbm>> -> memref<512xf32, #tpu.memory_space<hbm>>
      %dma_wait3A_113 = tpu.memref_slice %arg5[%mul3A_2] : memref<16384xf32, #tpu.memory_space<hbm>> -> memref<512xf32, #tpu.memory_space<hbm>>
      %dma_wait3A_114 = arith.constant 0 : i32
      %dma_wait3A_115 = tpu.memref_slice %arg7[%dma_wait3A_114] : memref<528xf32, #tpu.memory_space<vmem>> -> memref<512xf32, #tpu.memory_space<vmem>>
      tpu.wait_dma2 semaphore(%run_scoped3A : memref<!tpu.dma_semaphore, #tpu.memory_space<semaphore_mem>>) src(%dma_wait3A_115 : memref<512xf32, #tpu.memory_space<vmem>>) dst(%dma_wait3A_113 : memref<512xf32, #tpu.memory_space<hbm>>)
      tpu.yield
    }) : () -> ()
    return
  }
}

</mosaic_0001>

<sc_bundles>
// kernel: kernel.3.cloned.1.call-start
scs
__scs_entry_jumppad:
0x0: {  	(pc) =	sbr.rel $0x88, $3  }
0x1: {  	(tag) =	ssettag $0x0;
	lr =	simm.s32 $0x1  }
0x2: {  	[smem:$0x3F9E] =	sst lr;
	_ =	strace $0xD0000000  }
0x3: {  	_ = 	snop  }
0x4: {  	_ = 	snop  }
0x5: {  	_ = 	snop  }
0x6: {  	_ = 	snop  }
0x7: {  	_ = 	snop  }
__scs_overlays_trampoline_lowered:
0x8: {  	[smem:$0x3FAD] =	sst s0  }
0x9: {  	[smem:$0x3FAE] =	sst s1  }
0xa: {  	[smem:$0x3FAF] =	sst s2  }
0xb: {  	[smem:$0x3FB0] =	sst s3  }
0xc: {  	[smem:$0x3FB1] =	sst s4  }
0xd: {  	[smem:$0x3FB2] =	sst s5  }
0xe: {  	[smem:$0x3FB3] =	sst s6  }
0xf: {  	[smem:$0x3FB4] =	sst s7  }
0x10: {  	[smem:$0x3FB5] =	sst s8  }
0x11: {  	[smem:$0x3FB6] =	sst s9;
	s0 =	simm.s32 @!p0 $0x0  }
0x12: {  	s1 =	sld [smem:$0x3F9C];
	s0 =	simm.s32 @p0 $0x1  }
0x13: {  	[smem:$0x3FB7] =	sst s0;
	s0 =	simm.s32 @!p1 $0x0  }
0x14: {  	s2 =	sld [smem:$0x3F9B];
	s0 =	simm.s32 @p1 $0x1  }
0x15: {  	[smem:$0x3FB8] =	sst s0;
	s0 =	simm.s32 @!p2 $0x0  }
0x16: {  	s3 =	sld [smem:$0x3FDB];
	s0 =	simm.s32 @p2 $0x1  }
0x17: {  	s4 =	simm.s32 $0x1BF5;
	[smem:$0x3FBA] =	sst s0  }
0x18: {  	s0 =	sld [smem:$0x3F9D];
	_ =	swait.ge [sflag:s4], $0x0  }
0x19: {  	s7 =	sld [smem:$0x3F9E]  }
0x1a: {  	s8 =	sadd.s32 $0xFFFFE003, lr  }
0x1b: {  	s9 =	sadd.s32 $0xFFFFFEF7, lr;
	s5 =	simm.s32 $0xFFFFFFFF;
	p2 =	slt.u32 s8, $0xFFFFF086  }
0x1c: {  	p1 =	slt.u32 s9, $0xF7A;
	s5 =	simm.s32 @!p2 $0x0  }
0x1d: {  	s5 =	simm.s32 @p1 $0x1;
	p0 =	seq.s32 s7, s2  }
0x1e: {  	s7 =	smul.u32 @!p0 $0xF7A, s2;
	p2 =	seq.s32 @!p0 s5, $0x0  }
0x1f: {  	s9 =	smul.u32 $0xF7A, s1;
	s8 =	simm.s32 @!p0 $0x1BF5;
	p2 =	por !p2, p0  }
0x20: {  	[sflag:s8] =	ssyncset.s32 @!p0 $0xFFFFF086;
	s6 =	sadd.s32 @!p0 s3, s7;
	s7 =	simm.s32 @!p0 $0x108  }
0x21: {  	s3 =	sadd.s32 s3, s9;
	s6 =	sadd.s32 @!p0 $0x88, s6;
	s7 =	simm.s32 @p2 $0x1082  }
0x22: {  	[simem:s7], [sflag:s8] =	dma.local @!p0 [hbm:s6], $0xF7A  }
0x23: {  	s9 =	sor.u32 $0xD0000000, s2;
	s6 =	simm.s32 $0x108;
	_ =	swait.ge @!p0 [sflag:s8], $0x0  }
0x24: {  	s3 =	sadd.s32 $0x88, s3;
	s6 =	simm.s32 @!p1 $0x1082;
	[sflag:s4] =	ssyncset.s32 $0xFFFFF086  }
0x25: {  	[simem:s6], [sflag:s4] =	dma.local [hbm:s3], $0xF7A  }
0x26: {  	[smem:$0x3F9E] =	sst s1;
	(tag) =	ssettag s2;
	_ =	strace s9  }
0x27: {  	s1 =	sld [smem:$0x3FAE]  }
0x28: {  	s2 =	sld [smem:$0x3FAF]  }
0x29: {  	s4 =	sld [smem:$0x3FB1]  }
0x2a: {  	p0 =	seq.s32 s5, $0x0;
	s5 =	sld [smem:$0x3FB2]  }
0x2b: {  	s6 =	sld [smem:$0x3FB3]  }
0x2c: {  	s7 =	sld [smem:$0x3FB4]  }
0x2d: {  	s3 =	simm.s32 $0x108;
	s8 =	sld [smem:$0x3FB5]  }
0x2e: {  	s3 =	simm.s32 @!p0 $0x1082;
	s9 =	sld [smem:$0x3FB6]  }
0x2f: {  	lr =	sadd.s32 s0, s3;
	s0 =	sld [smem:$0x3FAD]  }
0x30: {  	s3 =	sld [smem:$0x3FB0]  }
0x31: {  	[smem:$0x3FB9] =	sst s10  }
0x32: {  	s10 =	sld [smem:$0x3FB7];
	_ =	sdelay $0x3  }
0x33: {  	p0 =	seq.s32 s10, $0x1;
	s10 =	sld [smem:$0x3FB9];
	_ =	sdelay $0x3  }
0x34: {  	[smem:$0x3FB9] =	sst s10  }
0x35: {  	s10 =	sld [smem:$0x3FB8];
	_ =	sdelay $0x3  }
0x36: {  	p1 =	seq.s32 s10, $0x1;
	s10 =	sld [smem:$0x3FB9];
	_ =	sdelay $0x3  }
0x37: {  	[smem:$0x3FB9] =	sst s10  }
0x38: {  	s10 =	sld [smem:$0x3FBA]  }
0x39: {  	_ = 	snop;
	(pc) =	sbr.ind lr, $3  }
0x3a: {  	_ = 	snop  }
0x3b: {  	_ = 	snop  }
0x3c: {  	p2 =	seq.s32 s10, $0x1;
	s10 =	sld [smem:$0x3FB9]  }
0x3d: {  	_ =	shalt  }
0x3e: {  	_ =	shalt  }
0x3f: {  	_ =	shalt  }
0x40: {  	_ =	shalt  }
0x41: {  	_ =	shalt  }
0x42: {  	_ =	shalt  }
0x43: {  	_ =	shalt  }
0x44: {  	_ =	shalt  }
0x45: {  	_ =	shalt  }
0x46: {  	_ =	shalt  }
0x47: {  	_ =	shalt  }
0x48: {  	_ =	shalt  }
0x49: {  	_ =	shalt  }
0x4a: {  	_ =	shalt  }
0x4b: {  	_ =	shalt  }
0x4c: {  	_ =	shalt  }
0x4d: {  	_ =	shalt  }
0x4e: {  	_ =	shalt  }
0x4f: {  	_ =	shalt  }
0x50: {  	_ =	shalt  }
0x51: {  	_ =	shalt  }
0x52: {  	_ =	shalt  }
0x53: {  	_ =	shalt  }
0x54: {  	_ =	shalt  }
0x55: {  	_ =	shalt  }
0x56: {  	_ =	shalt  }
0x57: {  	_ =	shalt  }
0x58: {  	_ =	shalt  }
0x59: {  	_ =	shalt  }
0x5a: {  	_ =	shalt  }
0x5b: {  	_ =	shalt  }
0x5c: {  	_ =	shalt  }
0x5d: {  	_ =	shalt  }
0x5e: {  	_ =	shalt  }
0x5f: {  	_ =	shalt  }
0x60: {  	_ =	shalt  }
0x61: {  	_ =	shalt  }
0x62: {  	_ =	shalt  }
0x63: {  	_ =	shalt  }
0x64: {  	_ =	shalt  }
0x65: {  	_ =	shalt  }
0x66: {  	_ =	shalt  }
0x67: {  	_ =	shalt  }
0x68: {  	_ =	shalt  }
0x69: {  	_ =	shalt  }
0x6a: {  	_ =	shalt  }
0x6b: {  	_ =	shalt  }
0x6c: {  	_ =	shalt  }
0x6d: {  	_ =	shalt  }
0x6e: {  	_ =	shalt  }
0x6f: {  	_ =	shalt  }
0x70: {  	_ =	shalt  }
0x71: {  	_ =	shalt  }
0x72: {  	_ =	shalt  }
0x73: {  	_ =	shalt  }
0x74: {  	_ =	shalt  }
0x75: {  	_ =	shalt  }
0x76: {  	_ =	shalt  }
0x77: {  	_ =	shalt  }
0x78: {  	_ =	shalt  }
0x79: {  	_ =	shalt  }
0x7a: {  	_ =	shalt  }
0x7b: {  	_ =	shalt  }
0x7c: {  	_ =	shalt  }
0x7d: {  	_ =	shalt  }
0x7e: {  	_ =	shalt  }
0x7f: {  	_ =	shalt  }
0x80: {  	_ =	shalt  }
0x81: {  	_ =	shalt  }
0x82: {  	_ =	shalt  }
0x83: {  	_ =	shalt  }
0x84: {  	_ =	shalt  }
0x85: {  	_ =	shalt  }
0x86: {  	_ =	shalt  }
0x87: {  	_ =	shalt  }
.Lfunc_end0:
.L_simem_size_0:
called_computation_lowered:
.L_overlay_start_0:
0x88: {  	s2 =	sld [smem:$0x3FD9]  }
0x89: {  	s3 =	sld [smem:$0x3FFE];
	_ =	sdelay $0x1  }
0x8a: {  	s1 =	srdreg.scid  }
0x8b: {  	s0 =	sand.u32 $0x1, s1  }
0x8c: {  	s18 =	sshll.u32 s0, $0xA;
	s2 =	sadd.s32 s3, s2  }
0x8d: {  	s2 =	sadd.s32 s2, s18  }
0x8e: {  	[smem:$0x3FC5] =	sst s2  }
0x8f: {  	_ = 	snop  }
0x90: {  	s2 =	sld [smem:$0x3FC9]  }
0x91: {  	s19 =	sld [smem:$0x3FC8]  }
0x92: {  	s4 =	sld [smem:$0x3FC7]  }
0x93: {  	s5 =	sld [smem:$0x3FD0];
	(tm) =	ssettm $0x1  }
0x94: {  	s6 =	sld [smem:$0x3FFB];
	_ =	sdelay $0x3  }
0x95: {  	_ =	strace s6  }
0x96: {  	s6 =	sld [smem:$0x3FFC];
	_ =	sdelay $0x3  }
0x97: {  	_ =	strace s6  }
0x98: {  	s6 =	sld [smem:$0x3FFD];
	_ =	sdelay $0x3  }
0x99: {  	_ =	strace s6  }
0x9a: {  	_ =	strace $0x8FFFFFFF  }
0x9b: {  	s20 =	sld [smem:$0x3FDB];
	_ =	sdelay $0x1  }
0x9c: {  	s7 =	simm.s32 $_scs_section_size  }
0x9d: {  	s8 =	simm.s32 $_size__tile_overlayer_lowered;
	s9 =	simm.s32 $_tile_overlayer_lowered  }
0x9e: {  	s23 =	simm.s32 $0x1BFF;
	s22 =	sshll.u32 s9, $0x1;
	s6 =	sadd.s32 s7, s20  }
0x9f: {  	s10 =	simm.s32 $0x0;
	s21 =	sshll.u32 s8, $0x1;
	s8 =	sadd.s32 s22, s6  }
0xa0: {  	[timem:s10], [sflag:s23] =	dma.local [hbm:s8], s21  }
0xa1: {  	_ =	swait.ge [sflag:s23], s21  }
0xa2: {  	s7 =	ssub.s32 $0x0, s21;
	[sflag:s23] =	ssyncset.done $0x0  }
0xa3: {  	[sflag:s23] =	ssyncadd.s32 s7;
	_ =	sdelay $0x1  }
0xa4: {  	s24 =	simm.s32 $0x1B8B  }
0xa5: {  	_ =	swait.ge [sflag:s24], $0x1  }
0xa6: {  	[sflag:s24] =	ssyncset.done $0x0  }
0xa7: {  	s25 =	simm.s32 $0x1B8E;
	[sflag:s24] =	ssyncadd.s32 $0xFFFFFFFF  }
0xa8: {  	s26 =	simm.s32 $execute0_lowered;
	[smem:$0x3FD2] =	sst s25  }
0xa9: {  	s7 =	sshll.u32 s26, $0x1;
	_ =	strace $0x80000046;
	[dreg:$0x1] =	wrdreg $0xFFFFFFFF  }
0xaa: {  	s28 =	simm.s32 $_size_execute0_lowered;
	s6 =	sadd.s32 s6, s7;
	[dreg:$0x0] =	wrdreg $0x0  }
0xab: {  	s7 =	sshll.u32 s28, $0x1;
	[dreg:$0x2] =	wrdreg s6  }
0xac: {  	[dreg:$0x3] =	wrdreg s7  }
0xad: {  	[dreg:$0x4] =	wrdreg $0xC0  }
0xae: {  	_ =	task [dreg:s10], $0x5FFFF  }
0xaf: {  	[dreg:$0x1] =	wrdreg $0xFFFFFFFF  }
0xb0: {  	[dreg:$0x0] =	wrdreg $0x60  }
0xb1: {  	[dreg:$0x2] =	wrdreg s2  }
0xb2: {  	[dreg:$0x3] =	wrdreg s19  }
0xb3: {  	[dreg:$0x4] =	wrdreg s4  }
0xb4: {  	[dreg:$0x5] =	wrdreg s5  }
0xb5: {  	[dreg:$0x6] =	wrdreg $0x9  }
0xb6: {  	_ =	task.clear_ibuf [dreg:s10], $0x7FFFF;
	_ =	strace $0x90000046  }
0xb7: {  	s29 =	simm.s32 $0x9;
	_ =	strace $0x80000048  }
0xb8: {  	_ =	swait.ge [sflag:s29], $0x1  }
0xb9: {  	[sflag:s29] =	ssyncadd.s32 $0xFFFFFFFF  }
0xba: {  	_ =	strace $0x90000048  }
0xbb: {  	_ =	sfence  }
0xbc: {  	s30 =	sld [smem:$0x0];
	_ =	sdelay $0x2  }
0xbd: {  	s31 =	sshll.u32 s1, $0xD;
	s1 =	sshrl.u32 s1, $0x2  }
0xbe: {  	s3 =	sand.u32 $0x4000, s31;
	s1 =	sadd.s32 s1, s30  }
0xbf: {  	s0 =	sor.u32 s3, s0;
	s1 =	sshll.u32 s1, $0x11  }
0xc0: {  	s0 =	sor.u32 s1, s0  }
0xc1: {  	s0 =	sadd.s32 $0x8F2B, s0  }
0xc2: {  	[sflag:s0] =	ssyncadd.remote.s32 $0x1  }
0xc3: {  	_ =	sfence.sel $0xFFFF  }
0xc4: {  	[dreg:$0x0] =	wrdreg $0xFFFFFFFF;
	(pc) =	sbr.abs _section_cstart, $3  }
0xc5: {  	[dreg:$0x1] =	wrdreg $0xFFFFFFFF  }
0xc6: {  	_ =	task.clear_ibuf [dreg:s10], $0x2FFFF;
	_ =	strace $0x9FFFFFFF  }
0xc7: {  	(tm) =	ssettm $0x7FFFFFFF  }
tec
execute0_lowered:
.L_overlay_start_1:
0x0: {  	(tag) =	ssettag $0x1  }
0x1: {  	s4 =	rddreg [dreg:$0x0]  }
0x2: {  	s5 =	rddreg [dreg:$0x1]  }
0x3: {  	s2 =	rddreg [dreg:$0x2]  }
0x4: {  	s9 =	rddreg [dreg:$0x3];
	s3 =	srdreg.scid  }
0x5: {  	s0 =	rddreg [dreg:$0x4];
	s1 =	stileid.u32;
	s12 =	simm.s32 $0x3  }
0x6: {  	s13 =	simm.s32 $0x80;
	s14 =	simm.s32 $0x480;
	s15 =	simm.s32 $0x4480  }
0x7: {  	s16 =	simm.s32 $0xC480;
	s17 =	simm.s32 $0x1;
	s18 =	simm.s32 $0x100  }
0x8: {  	s19 =	simm.s32 $0x2;
	s20 =	simm.s32 $0x180;
	s21 =	simm.s32 $0x200  }
0x9: {  	s22 =	simm.s32 $0x0;
	s6 =	sand.u32 $0x1, s3;
	s3 =	simm.s32 $0x0  }
0xa: {  	s7 =	sshll.u32 s1, $0xA;
	s8 =	sshll.u32 s6, $0x9;
	[smem:$0x7FF] =	sst s3  }
0xb: {  	s6 =	ssub.s32 $0x2, s6;
	s7 =	sor.u32 s8, s7;
	_ =	strace $0x80000047  }
0xc: {  	s30 =	sshrl.u32 s6, $0x1;
	s10 =	sshll.u32 s7, $0x4;
	s31 =	sshrl.u32 s7, $0x3  }
0xd: {  	s11 =	ssub.s32 s6, s30;
	s4 =	sadd.s32 s4, s10;
	s5 =	sadd.s32 s5, s31  }
0xe: {  	s9 =	sadd.s32 s9, s31;
	s10 =	smax.u32 s11, $0x1;
	s11 =	simm.s32 $0x8480  }
0xf: {  	vm0 =	vcmask $0x3F3C;
	s6 =	sadd.s32 $0x800, s4;
	s7 =	sadd.s32 $0x1000, s4;
	s8 =	sadd.s32 $0x1800, s4  }
.LBB2_1:
0x10: {  	[tilespmem:s11], [sflag:$0x1] =	stream.linear.gather [hbm4b:s4+s3], $0x4000, $0x38;
	[tilespmem:$0x10480] =	vst v63  }
0x11: {  	_ = 	snop  }
0x12: {  	[tilespmem:s3], [sflag:$0x3] =	stream.linear.gather [hbm4b:s5+s3], $0x200, $0x38;
	[tilespmem:$0x10480] =	vst v63  }
0x13: {  	_ =	swait.ge [sflag:s12], $0x200  }
0x14: {  	[sflag:s12] =	ssyncset.done $0x0  }
0x15: {  	[sflag:s12] =	ssyncadd.s32 $0xFFFFFE00  }
0x16: {  	[tilespmem:s14], [sflag:$0x1] =	stream.indirect.gather [hbm4b:s2+s13], $0x80, s3, s13, $0xb8;
	[tilespmem:$0x10480] =	vst v63  }
0x17: {  	_ = 	snop  }
0x18: {  	[tilespmem:s15], [sflag:$0x2] =	stream.indirect.gather [hbm4b:s2+s13], $0x80, s13, s13, $0xb8;
	[tilespmem:$0x10480] =	vst v63  }
0x19: {  	_ = 	snop  }
0x1a: {  	[tilespmem:s16], [sflag:$0x2] =	stream.linear.gather [hbm4b:s6+s3], $0x4000, $0x38;
	[tilespmem:$0x10480] =	vst v63  }
0x1b: {  	_ =	swait.ge [sflag:s17], $0x4000  }
0x1c: {  	[sflag:s17] =	ssyncset.done $0x0  }
0x1d: {  	[sflag:s17] =	ssyncadd.s32 $0xFFFFC000  }
0x1e: {  	_ =	swait.ge [sflag:s17], $0x4000  }
0x1f: {  	[sflag:s17] =	ssyncset.done $0x0  }
0x20: {  	s23 =	simm.s32 $0x0;
	[sflag:s17] =	ssyncadd.s32 $0xFFFFC000  }
0x21: {  	v0 =	vld [tilespmem:s23+$0x8480]  }
0x22: {  	v1 =	vld [tilespmem:s23+$0x480]  }
0x23: {  	v2 =	vld [tilespmem:s23+$0x8490]  }
0x24: {  	v3 =	vld [tilespmem:s23+$0x490]  }
0x25: {  	v4 =	vld [tilespmem:s23+$0x84A0]  }
0x26: {  	v5 =	vld [tilespmem:s23+$0x4A0]  }
0x27: {  	v6 =	vld [tilespmem:s23+$0x84B0]  }
0x28: {  	v7 =	vld [tilespmem:s23+$0x4B0]  }
0x29: {  	v8 =	vld [tilespmem:s23+$0x84C0]  }
0x2a: {  	v9 =	vld [tilespmem:s23+$0x4C0]  }
0x2b: {  	v10 =	vld [tilespmem:s23+$0x84D0]  }
0x2c: {  	v11 =	vld [tilespmem:s23+$0x4D0]  }
0x2d: {  	v12 =	vld [tilespmem:s23+$0x84E0]  }
0x2e: {  	v13 =	vld [tilespmem:s23+$0x4E0]  }
0x2f: {  	v14 =	vld [tilespmem:s23+$0x84F0]  }
0x30: {  	s24 =	simm.s32 $0x80;
	v15 =	vld [tilespmem:s23+$0x4F0]  }
0x31: {  	v16 =	vld [tilespmem:s24+$0x8480]  }
0x32: {  	v17 =	vld [tilespmem:s24+$0x480]  }
0x33: {  	v18 =	vld [tilespmem:s24+$0x8490]  }
0x34: {  	v19 =	vld [tilespmem:s24+$0x490]  }
0x35: {  	v20 =	vld [tilespmem:s24+$0x84A0]  }
0x36: {  	v21 =	vld [tilespmem:s24+$0x4A0]  }
0x37: {  	v22 =	vld [tilespmem:s24+$0x84B0]  }
0x38: {  	v23 =	vld [tilespmem:s24+$0x4B0];
	v0 =	vmul.f32 v1, v0;
	v1 =	vmul.f32 v3, v2  }
0x39: {  	v24 =	vld [tilespmem:s24+$0x84C0];
	v2 =	vmul.f32 v5, v4;
	v3 =	vmul.f32 v7, v6  }
0x3a: {  	v5 =	vld [tilespmem:s24+$0x4C0];
	v4 =	vmul.f32 v9, v8;
	v6 =	vmul.f32 v11, v10  }
0x3b: {  	v7 =	vld [tilespmem:s24+$0x84D0];
	v8 =	vmul.f32 v13, v12;
	v9 =	vmul.f32 v15, v14  }
0x3c: {  	v10 =	vld [tilespmem:s24+$0x4D0];
	v0 =	vadd.f32 v1, v0;
	v1 =	vadd.f32 v3, v2  }
0x3d: {  	v11 =	vld [tilespmem:s24+$0x84E0];
	v2 =	vadd.f32 v6, v4;
	v3 =	vadd.f32 v9, v8  }
0x3e: {  	v6 =	vld [tilespmem:s24+$0x4E0]  }
0x3f: {  	v8 =	vld [tilespmem:s24+$0x84F0];
	v0 =	vadd.f32 v1, v0;
	v1 =	vadd.f32 v3, v2  }
0x40: {  	s23 =	simm.s32 $0x100;
	v9 =	vld [tilespmem:s24+$0x4F0]  }
0x41: {  	v4 =	vld [tilespmem:s23+$0x8480];
	v2 =	vadd.f32 v1, v0  }
0x42: {  	v12 =	vmul.f32 v17, v16;
	v13 =	vmul.f32 v19, v18;
	v3 =	vld [tilespmem:s23+$0x84A0]  }
0x43: {  	v14 =	vmul.f32 v21, v20;
	v63 =	vmul.f32 v5, v24;
	v5 =	vld [tilespmem:s23+$0x4A0];
	(xrf2) =	vadd.scan.msk.f32 $0xffff, v2  }
0x44: {  	v15 =	vmul.f32 v23, v22;
	v10 =	vmul.f32 v10, v7;
	v7 =	vld [tilespmem:s23+$0x4B0]  }
0x45: {  	v0 =	vld [tilespmem:s23+$0x480];
	v11 =	vmul.f32 v6, v11;
	v8 =	vmul.f32 v9, v8  }
0x46: {  	v12 =	vadd.f32 v13, v12;
	v13 =	vadd.f32 v15, v14;
	v1 =	vld [tilespmem:s23+$0x8490]  }
0x47: {  	v6 =	vld [tilespmem:s23+$0x84B0];
	v10 =	vadd.f32 v10, v63;
	v11 =	vadd.f32 v8, v11  }
0x48: {  	v9 =	vld [tilespmem:s23+$0x4C0]  }
0x49: {  	v12 =	vadd.f32 v13, v12;
	v2 =	vld [tilespmem:s23+$0x490];
	v13 =	vadd.f32 v11, v10  }
0x4a: {  	v8 =	vld [tilespmem:s23+$0x84C0]  }
0x4b: {  	v10 =	vld [tilespmem:s23+$0x84D0];
	v14 =	vadd.f32 v13, v12  }
0x4c: {  	v11 =	vld [tilespmem:s23+$0x4D0]  }
0x4d: {  	v12 =	vld [tilespmem:s23+$0x84E0];
	v15, _, _ =	vpop (xrf2);
	(xrf2) =	vadd.scan.msk.f32 $0xffff, v14  }
0x4e: {  	v13 =	vld [tilespmem:s23+$0x4E0]  }
0x4f: {  	s25 =	simm.s32 $0x600;
	s24 =	simm.s32 $0x200;
	v14 =	vld [tilespmem:s23+$0x84F0];
	[tilespmem:s21+$0x0] =	vst.msk vm0, v15  }
.LBB2_2:
0x50: {  	p0 =	sne.s32 s25, $0xFE00;
	v15 =	vld [tilespmem:s23+$0x4F0];
	s23 =	sshra.s32 s25, $0x2  }
0x51: {  	v16 =	vld [tilespmem:s23+$0x8480]  }
0x52: {  	v4 =	vmul.f32 v0, v4;
	v17 =	vmul.f32 v2, v1;
	v0 =	vld [tilespmem:s23+$0x480]  }
0x53: {  	v18 =	vmul.f32 v5, v3;
	v6 =	vmul.f32 v7, v6;
	v1 =	vld [tilespmem:s23+$0x8490]  }
0x54: {  	v7 =	vmul.f32 v9, v8;
	v19 =	vmul.f32 v11, v10;
	v2 =	vld [tilespmem:s23+$0x490]  }
0x55: {  	v9 =	vmul.f32 v13, v12;
	v3 =	vld [tilespmem:s23+$0x84A0];
	v10 =	vmul.f32 v15, v14  }
0x56: {  	v11 =	vadd.f32 v17, v4;
	v12 =	vadd.f32 v6, v18;
	v5 =	vld [tilespmem:s23+$0x4A0];
	v4 =	vmov v16  }
0x57: {  	s24 =	sadd.s32 $0x1, s24;
	v13 =	vadd.f32 v19, v7;
	v6 =	vld [tilespmem:s23+$0x84B0];
	v9 =	vadd.f32 v10, v9;
	v8, _, _ =	vpop (xrf2)  }
0x58: {  	v7 =	vld [tilespmem:s23+$0x4B0];
	[tilespmem:s24+$0x0] =	vst.msk vm0, v8  }
0x59: {  	v11 =	vadd.f32 v12, v11;
	v8 =	vld [tilespmem:s23+$0x84C0];
	v12 =	vadd.f32 v9, v13  }
0x5a: {  	v9 =	vld [tilespmem:s23+$0x4C0]  }
.Ltmp0:
0x5b: {  	v10 =	vld [tilespmem:s23+$0x84D0];
	v13 =	vadd.f32 v12, v11;
	(pc) =	sbr.rel @p0 .LBB2_2-.Ltmp0, $4  }
0x5c: {  	v11 =	vld [tilespmem:s23+$0x4D0]  }
0x5d: {  	v12 =	vld [tilespmem:s23+$0x84E0];
	(xrf2) =	vadd.scan.msk.f32 $0xffff, v13  }
0x5e: {  	v13 =	vld [tilespmem:s23+$0x4E0]  }
0x5f: {  	s25 =	sadd.s32 $0x200, s25;
	v14 =	vld [tilespmem:s23+$0x84F0]  }
0x60: {  	v15 =	vld [tilespmem:s23+$0x4F0];
	_ =	sdelay $0x1  }
0x61: {  	v0 =	vmul.f32 v0, v4;
	v1 =	vmul.f32 v2, v1  }
0x62: {  	v2 =	vmul.f32 v5, v3;
	v3 =	vmul.f32 v7, v6  }
0x63: {  	v4 =	vmul.f32 v9, v8;
	v5 =	vmul.f32 v11, v10  }
0x64: {  	v6 =	vmul.f32 v13, v12;
	v7 =	vmul.f32 v15, v14  }
0x65: {  	v0 =	vadd.f32 v1, v0;
	v1 =	vadd.f32 v3, v2  }
0x66: {  	v2 =	vadd.f32 v5, v4;
	v3 =	vadd.f32 v7, v6;
	_ =	sdelay $0x1  }
0x67: {  	v0 =	vadd.f32 v1, v0;
	v1 =	vadd.f32 v3, v2;
	_ =	sdelay $0x1  }
0x68: {  	v0 =	vadd.f32 v1, v0;
	_ =	sdelay $0x1  }
0x69: {  	(xrf2) =	vadd.scan.msk.f32 $0xffff, v0;
	_ =	sdelay $0x8  }
0x6a: {  	s28 =	sadd.s32 $0x1, s24;
	v0, _, _ =	vpop (xrf2)  }
0x6b: {  	s23 =	sadd.s32 $0x1, s28;
	[tilespmem:s28+$0x0] =	vst.msk vm0, v0;
	v0, _, _ =	vpop (xrf2)  }
0x6c: {  	[tilespmem:s23+$0x0] =	vst.msk vm0, v0  }
0x6d: {  	[tilespmem:s14], [sflag:$0x1] =	stream.indirect.gather [hbm4b:s2+s13], $0x80, s18, s13, $0xb8;
	[tilespmem:$0x10480] =	vst v63  }
0x6e: {  	s29 =	simm.s32 $0x0  }
0x6f: {  	[tilespmem:s11], [sflag:$0x1] =	stream.linear.gather [hbm4b:s7+s29], $0x4000, $0x38;
	[tilespmem:$0x10480] =	vst v63  }
0x70: {  	_ =	swait.ge [sflag:s19], $0x4000  }
0x71: {  	[sflag:s19] =	ssyncset.done $0x0  }
0x72: {  	[sflag:s19] =	ssyncadd.s32 $0xFFFFC000  }
0x73: {  	_ =	swait.ge [sflag:s19], $0x4000  }
0x74: {  	[sflag:s19] =	ssyncset.done $0x0  }
0x75: {  	s30 =	simm.s32 $0x0;
	[sflag:s19] =	ssyncadd.s32 $0xFFFFC000  }
0x76: {  	v0 =	vld [tilespmem:s30+$0xC480]  }
0x77: {  	v1 =	vld [tilespmem:s30+$0x4480]  }
0x78: {  	v2 =	vld [tilespmem:s30+$0xC490]  }
0x79: {  	v3 =	vld [tilespmem:s30+$0x4490]  }
0x7a: {  	v4 =	vld [tilespmem:s30+$0xC4A0]  }
0x7b: {  	v5 =	vld [tilespmem:s30+$0x44A0]  }
0x7c: {  	v6 =	vld [tilespmem:s30+$0xC4B0]  }
0x7d: {  	v7 =	vld [tilespmem:s30+$0x44B0]  }
0x7e: {  	v8 =	vld [tilespmem:s30+$0xC4C0]  }
0x7f: {  	v9 =	vld [tilespmem:s30+$0x44C0]  }
0x80: {  	v10 =	vld [tilespmem:s30+$0xC4D0]  }
0x81: {  	v11 =	vld [tilespmem:s30+$0x44D0]  }
0x82: {  	v12 =	vld [tilespmem:s30+$0xC4E0]  }
0x83: {  	v13 =	vld [tilespmem:s30+$0x44E0]  }
0x84: {  	v14 =	vld [tilespmem:s30+$0xC4F0]  }
0x85: {  	s31 =	simm.s32 $0x80;
	v15 =	vld [tilespmem:s30+$0x44F0]  }
0x86: {  	v16 =	vld [tilespmem:s31+$0xC480]  }
0x87: {  	v17 =	vld [tilespmem:s31+$0x4480]  }
0x88: {  	v18 =	vld [tilespmem:s31+$0xC490]  }
0x89: {  	v19 =	vld [tilespmem:s31+$0x4490]  }
0x8a: {  	v20 =	vld [tilespmem:s31+$0xC4A0]  }
0x8b: {  	v21 =	vld [tilespmem:s31+$0x44A0]  }
0x8c: {  	v22 =	vld [tilespmem:s31+$0xC4B0]  }
0x8d: {  	v23 =	vld [tilespmem:s31+$0x44B0];
	v0 =	vmul.f32 v1, v0;
	v1 =	vmul.f32 v3, v2  }
0x8e: {  	v24 =	vld [tilespmem:s31+$0xC4C0];
	v2 =	vmul.f32 v5, v4;
	v3 =	vmul.f32 v7, v6  }
0x8f: {  	v5 =	vld [tilespmem:s31+$0x44C0];
	v4 =	vmul.f32 v9, v8;
	v6 =	vmul.f32 v11, v10  }
0x90: {  	v7 =	vld [tilespmem:s31+$0xC4D0];
	v8 =	vmul.f32 v13, v12;
	v9 =	vmul.f32 v15, v14  }
0x91: {  	v10 =	vld [tilespmem:s31+$0x44D0];
	v0 =	vadd.f32 v1, v0;
	v1 =	vadd.f32 v3, v2  }
0x92: {  	v11 =	vld [tilespmem:s31+$0xC4E0];
	v2 =	vadd.f32 v6, v4;
	v3 =	vadd.f32 v9, v8  }
0x93: {  	v6 =	vld [tilespmem:s31+$0x44E0]  }
0x94: {  	v8 =	vld [tilespmem:s31+$0xC4F0];
	v0 =	vadd.f32 v1, v0;
	v1 =	vadd.f32 v3, v2  }
0x95: {  	s23 =	simm.s32 $0x100;
	v9 =	vld [tilespmem:s31+$0x44F0]  }
0x96: {  	v4 =	vld [tilespmem:s23+$0xC480];
	v2 =	vadd.f32 v1, v0  }
0x97: {  	v12 =	vmul.f32 v17, v16;
	v13 =	vmul.f32 v19, v18;
	v3 =	vld [tilespmem:s23+$0xC4A0]  }
0x98: {  	v14 =	vmul.f32 v21, v20;
	v63 =	vmul.f32 v5, v24;
	v5 =	vld [tilespmem:s23+$0x44A0];
	(xrf2) =	vadd.scan.msk.f32 $0xffff, v2  }
0x99: {  	v15 =	vmul.f32 v23, v22;
	v10 =	vmul.f32 v10, v7;
	v7 =	vld [tilespmem:s23+$0x44B0]  }
0x9a: {  	v0 =	vld [tilespmem:s23+$0x4480];
	v11 =	vmul.f32 v6, v11;
	v8 =	vmul.f32 v9, v8  }
0x9b: {  	v12 =	vadd.f32 v13, v12;
	v13 =	vadd.f32 v15, v14;
	v1 =	vld [tilespmem:s23+$0xC490]  }
0x9c: {  	v6 =	vld [tilespmem:s23+$0xC4B0];
	v10 =	vadd.f32 v10, v63;
	v11 =	vadd.f32 v8, v11  }
0x9d: {  	v9 =	vld [tilespmem:s23+$0x44C0]  }
0x9e: {  	v12 =	vadd.f32 v13, v12;
	v2 =	vld [tilespmem:s23+$0x4490];
	v13 =	vadd.f32 v11, v10  }
0x9f: {  	v8 =	vld [tilespmem:s23+$0xC4C0]  }
0xa0: {  	v10 =	vld [tilespmem:s23+$0xC4D0];
	v14 =	vadd.f32 v13, v12  }
0xa1: {  	v11 =	vld [tilespmem:s23+$0x44D0]  }
0xa2: {  	v12 =	vld [tilespmem:s23+$0xC4E0];
	v15, _, _ =	vpop (xrf2);
	(xrf2) =	vadd.scan.msk.f32 $0xffff, v14  }
0xa3: {  	s24 =	simm.s32 $0x280;
	v13 =	vld [tilespmem:s23+$0x44E0]  }
0xa4: {  	s25 =	simm.s32 $0x600;
	v14 =	vld [tilespmem:s23+$0xC4F0];
	[tilespmem:s24+$0x0] =	vst.msk vm0, v15  }
.LBB2_4:
0xa5: {  	p0 =	sne.s32 s25, $0xFE00;
	v15 =	vld [tilespmem:s23+$0x44F0];
	s23 =	sshra.s32 s25, $0x2  }
0xa6: {  	v16 =	vld [tilespmem:s23+$0xC480]  }
0xa7: {  	v4 =	vmul.f32 v0, v4;
	v17 =	vmul.f32 v2, v1;
	v0 =	vld [tilespmem:s23+$0x4480]  }
0xa8: {  	v18 =	vmul.f32 v5, v3;
	v6 =	vmul.f32 v7, v6;
	v1 =	vld [tilespmem:s23+$0xC490]  }
0xa9: {  	v7 =	vmul.f32 v9, v8;
	v19 =	vmul.f32 v11, v10;
	v2 =	vld [tilespmem:s23+$0x4490]  }
0xaa: {  	v9 =	vmul.f32 v13, v12;
	v3 =	vld [tilespmem:s23+$0xC4A0];
	v10 =	vmul.f32 v15, v14  }
0xab: {  	v11 =	vadd.f32 v17, v4;
	v12 =	vadd.f32 v6, v18;
	v5 =	vld [tilespmem:s23+$0x44A0];
	v4 =	vmov v16  }
0xac: {  	s24 =	sadd.s32 $0x1, s24;
	v13 =	vadd.f32 v19, v7;
	v6 =	vld [tilespmem:s23+$0xC4B0];
	v9 =	vadd.f32 v10, v9;
	v8, _, _ =	vpop (xrf2)  }
0xad: {  	v7 =	vld [tilespmem:s23+$0x44B0];
	[tilespmem:s24+$0x0] =	vst.msk vm0, v8  }
0xae: {  	v11 =	vadd.f32 v12, v11;
	v8 =	vld [tilespmem:s23+$0xC4C0];
	v12 =	vadd.f32 v9, v13  }
0xaf: {  	v9 =	vld [tilespmem:s23+$0x44C0]  }
.Ltmp1:
0xb0: {  	v10 =	vld [tilespmem:s23+$0xC4D0];
	v13 =	vadd.f32 v12, v11;
	(pc) =	sbr.rel @p0 .LBB2_4-.Ltmp1, $4  }
0xb1: {  	v11 =	vld [tilespmem:s23+$0x44D0]  }
0xb2: {  	v12 =	vld [tilespmem:s23+$0xC4E0];
	(xrf2) =	vadd.scan.msk.f32 $0xffff, v13  }
0xb3: {  	v13 =	vld [tilespmem:s23+$0x44E0]  }
0xb4: {  	s25 =	sadd.s32 $0x200, s25;
	v14 =	vld [tilespmem:s23+$0xC4F0]  }
0xb5: {  	v15 =	vld [tilespmem:s23+$0x44F0];
	_ =	sdelay $0x1  }
0xb6: {  	v0 =	vmul.f32 v0, v4;
	v1 =	vmul.f32 v2, v1  }
0xb7: {  	v2 =	vmul.f32 v5, v3;
	v3 =	vmul.f32 v7, v6  }
0xb8: {  	v4 =	vmul.f32 v9, v8;
	v5 =	vmul.f32 v11, v10  }
0xb9: {  	v6 =	vmul.f32 v13, v12;
	v7 =	vmul.f32 v15, v14  }
0xba: {  	v0 =	vadd.f32 v1, v0;
	v1 =	vadd.f32 v3, v2  }
0xbb: {  	v2 =	vadd.f32 v5, v4;
	v3 =	vadd.f32 v7, v6;
	_ =	sdelay $0x1  }
0xbc: {  	v0 =	vadd.f32 v1, v0;
	v1 =	vadd.f32 v3, v2;
	_ =	sdelay $0x1  }
0xbd: {  	v0 =	vadd.f32 v1, v0;
	_ =	sdelay $0x1  }
0xbe: {  	(xrf2) =	vadd.scan.msk.f32 $0xffff, v0;
	_ =	sdelay $0x8  }
0xbf: {  	s28 =	sadd.s32 $0x1, s24;
	v0, _, _ =	vpop (xrf2)  }
0xc0: {  	s23 =	sadd.s32 $0x1, s28;
	[tilespmem:s28+$0x0] =	vst.msk vm0, v0;
	v0, _, _ =	vpop (xrf2)  }
0xc1: {  	[tilespmem:s23+$0x0] =	vst.msk vm0, v0  }
0xc2: {  	[tilespmem:s15], [sflag:$0x2] =	stream.indirect.gather [hbm4b:s2+s13], $0x80, s20, s13, $0xb8;
	[tilespmem:$0x10480] =	vst v63  }
0xc3: {  	s29 =	simm.s32 $0x0  }
0xc4: {  	[tilespmem:s16], [sflag:$0x2] =	stream.linear.gather [hbm4b:s8+s29], $0x4000, $0x38;
	[tilespmem:$0x10480] =	vst v63  }
0xc5: {  	_ =	swait.ge [sflag:s17], $0x4000  }
0xc6: {  	[sflag:s17] =	ssyncset.done $0x0  }
0xc7: {  	[sflag:s17] =	ssyncadd.s32 $0xFFFFC000  }
0xc8: {  	_ =	swait.ge [sflag:s17], $0x4000  }
0xc9: {  	[sflag:s17] =	ssyncset.done $0x0  }
0xca: {  	s30 =	simm.s32 $0x0;
	[sflag:s17] =	ssyncadd.s32 $0xFFFFC000  }
0xcb: {  	v0 =	vld [tilespmem:s30+$0x8480]  }
0xcc: {  	v1 =	vld [tilespmem:s30+$0x480]  }
0xcd: {  	v2 =	vld [tilespmem:s30+$0x8490]  }
0xce: {  	v3 =	vld [tilespmem:s30+$0x490]  }
0xcf: {  	v4 =	vld [tilespmem:s30+$0x84A0]  }
0xd0: {  	v5 =	vld [tilespmem:s30+$0x4A0]  }
0xd1: {  	v6 =	vld [tilespmem:s30+$0x84B0]  }
0xd2: {  	v7 =	vld [tilespmem:s30+$0x4B0]  }
0xd3: {  	v8 =	vld [tilespmem:s30+$0x84C0]  }
0xd4: {  	v9 =	vld [tilespmem:s30+$0x4C0]  }
0xd5: {  	v10 =	vld [tilespmem:s30+$0x84D0]  }
0xd6: {  	v11 =	vld [tilespmem:s30+$0x4D0]  }
0xd7: {  	v12 =	vld [tilespmem:s30+$0x84E0]  }
0xd8: {  	v13 =	vld [tilespmem:s30+$0x4E0]  }
0xd9: {  	v14 =	vld [tilespmem:s30+$0x84F0]  }
0xda: {  	s31 =	simm.s32 $0x80;
	v15 =	vld [tilespmem:s30+$0x4F0]  }
0xdb: {  	v16 =	vld [tilespmem:s31+$0x8480]  }
0xdc: {  	v17 =	vld [tilespmem:s31+$0x480]  }
0xdd: {  	v18 =	vld [tilespmem:s31+$0x8490]  }
0xde: {  	v19 =	vld [tilespmem:s31+$0x490]  }
0xdf: {  	v20 =	vld [tilespmem:s31+$0x84A0]  }
0xe0: {  	v21 =	vld [tilespmem:s31+$0x4A0]  }
0xe1: {  	v22 =	vld [tilespmem:s31+$0x84B0]  }
0xe2: {  	v23 =	vld [tilespmem:s31+$0x4B0];
	v0 =	vmul.f32 v1, v0;
	v1 =	vmul.f32 v3, v2  }
0xe3: {  	v24 =	vld [tilespmem:s31+$0x84C0];
	v2 =	vmul.f32 v5, v4;
	v3 =	vmul.f32 v7, v6  }
0xe4: {  	v5 =	vld [tilespmem:s31+$0x4C0];
	v4 =	vmul.f32 v9, v8;
	v6 =	vmul.f32 v11, v10  }
0xe5: {  	v7 =	vld [tilespmem:s31+$0x84D0];
	v8 =	vmul.f32 v13, v12;
	v9 =	vmul.f32 v15, v14  }
0xe6: {  	v10 =	vld [tilespmem:s31+$0x4D0];
	v0 =	vadd.f32 v1, v0;
	v1 =	vadd.f32 v3, v2  }
0xe7: {  	v11 =	vld [tilespmem:s31+$0x84E0];
	v2 =	vadd.f32 v6, v4;
	v3 =	vadd.f32 v9, v8  }
0xe8: {  	v6 =	vld [tilespmem:s31+$0x4E0]  }
0xe9: {  	v8 =	vld [tilespmem:s31+$0x84F0];
	v0 =	vadd.f32 v1, v0;
	v1 =	vadd.f32 v3, v2  }
0xea: {  	s23 =	simm.s32 $0x100;
	v9 =	vld [tilespmem:s31+$0x4F0]  }
0xeb: {  	v4 =	vld [tilespmem:s23+$0x8480];
	v2 =	vadd.f32 v1, v0  }
0xec: {  	v12 =	vmul.f32 v17, v16;
	v13 =	vmul.f32 v19, v18;
	v3 =	vld [tilespmem:s23+$0x84A0]  }
0xed: {  	v14 =	vmul.f32 v21, v20;
	v63 =	vmul.f32 v5, v24;
	v5 =	vld [tilespmem:s23+$0x4A0];
	(xrf2) =	vadd.scan.msk.f32 $0xffff, v2  }
0xee: {  	v15 =	vmul.f32 v23, v22;
	v10 =	vmul.f32 v10, v7;
	v7 =	vld [tilespmem:s23+$0x4B0]  }
0xef: {  	v0 =	vld [tilespmem:s23+$0x480];
	v11 =	vmul.f32 v6, v11;
	v8 =	vmul.f32 v9, v8  }
0xf0: {  	v12 =	vadd.f32 v13, v12;
	v13 =	vadd.f32 v15, v14;
	v1 =	vld [tilespmem:s23+$0x8490]  }
0xf1: {  	v6 =	vld [tilespmem:s23+$0x84B0];
	v10 =	vadd.f32 v10, v63;
	v11 =	vadd.f32 v8, v11  }
0xf2: {  	v9 =	vld [tilespmem:s23+$0x4C0]  }
0xf3: {  	v12 =	vadd.f32 v13, v12;
	v2 =	vld [tilespmem:s23+$0x490];
	v13 =	vadd.f32 v11, v10  }
0xf4: {  	v8 =	vld [tilespmem:s23+$0x84C0]  }
0xf5: {  	v10 =	vld [tilespmem:s23+$0x84D0];
	v14 =	vadd.f32 v13, v12  }
0xf6: {  	v11 =	vld [tilespmem:s23+$0x4D0]  }
0xf7: {  	v12 =	vld [tilespmem:s23+$0x84E0];
	v15, _, _ =	vpop (xrf2);
	(xrf2) =	vadd.scan.msk.f32 $0xffff, v14  }
0xf8: {  	s24 =	simm.s32 $0x300;
	v13 =	vld [tilespmem:s23+$0x4E0]  }
0xf9: {  	s25 =	simm.s32 $0x600;
	v14 =	vld [tilespmem:s23+$0x84F0];
	[tilespmem:s24+$0x0] =	vst.msk vm0, v15  }
.LBB2_6:
0xfa: {  	p0 =	sne.s32 s25, $0xFE00;
	v15 =	vld [tilespmem:s23+$0x4F0];
	s23 =	sshra.s32 s25, $0x2  }
0xfb: {  	v16 =	vld [tilespmem:s23+$0x8480]  }
0xfc: {  	v4 =	vmul.f32 v0, v4;
	v17 =	vmul.f32 v2, v1;
	v0 =	vld [tilespmem:s23+$0x480]  }
0xfd: {  	v18 =	vmul.f32 v5, v3;
	v6 =	vmul.f32 v7, v6;
	v1 =	vld [tilespmem:s23+$0x8490]  }
0xfe: {  	v7 =	vmul.f32 v9, v8;
	v19 =	vmul.f32 v11, v10;
	v2 =	vld [tilespmem:s23+$0x490]  }
0xff: {  	v9 =	vmul.f32 v13, v12;
	v3 =	vld [tilespmem:s23+$0x84A0];
	v10 =	vmul.f32 v15, v14  }
0x100: {  	v11 =	vadd.f32 v17, v4;
	v12 =	vadd.f32 v6, v18;
	v5 =	vld [tilespmem:s23+$0x4A0];
	v4 =	vmov v16  }
0x101: {  	s24 =	sadd.s32 $0x1, s24;
	v13 =	vadd.f32 v19, v7;
	v6 =	vld [tilespmem:s23+$0x84B0];
	v9 =	vadd.f32 v10, v9;
	v8, _, _ =	vpop (xrf2)  }
0x102: {  	v7 =	vld [tilespmem:s23+$0x4B0];
	[tilespmem:s24+$0x0] =	vst.msk vm0, v8  }
0x103: {  	v11 =	vadd.f32 v12, v11;
	v8 =	vld [tilespmem:s23+$0x84C0];
	v12 =	vadd.f32 v9, v13  }
0x104: {  	v9 =	vld [tilespmem:s23+$0x4C0]  }
.Ltmp2:
0x105: {  	v10 =	vld [tilespmem:s23+$0x84D0];
	v13 =	vadd.f32 v12, v11;
	(pc) =	sbr.rel @p0 .LBB2_6-.Ltmp2, $4  }
0x106: {  	v11 =	vld [tilespmem:s23+$0x4D0]  }
0x107: {  	v12 =	vld [tilespmem:s23+$0x84E0];
	(xrf2) =	vadd.scan.msk.f32 $0xffff, v13  }
0x108: {  	v13 =	vld [tilespmem:s23+$0x4E0]  }
0x109: {  	s25 =	sadd.s32 $0x200, s25;
	v14 =	vld [tilespmem:s23+$0x84F0]  }
0x10a: {  	v15 =	vld [tilespmem:s23+$0x4F0];
	_ =	sdelay $0x1  }
0x10b: {  	v0 =	vmul.f32 v0, v4;
	v1 =	vmul.f32 v2, v1  }
0x10c: {  	v2 =	vmul.f32 v5, v3;
	v3 =	vmul.f32 v7, v6  }
0x10d: {  	v4 =	vmul.f32 v9, v8;
	v5 =	vmul.f32 v11, v10  }
0x10e: {  	v6 =	vmul.f32 v13, v12;
	v7 =	vmul.f32 v15, v14  }
0x10f: {  	v0 =	vadd.f32 v1, v0;
	v1 =	vadd.f32 v3, v2  }
0x110: {  	v2 =	vadd.f32 v5, v4;
	v3 =	vadd.f32 v7, v6;
	_ =	sdelay $0x1  }
0x111: {  	v0 =	vadd.f32 v1, v0;
	v1 =	vadd.f32 v3, v2;
	_ =	sdelay $0x1  }
0x112: {  	v0 =	vadd.f32 v1, v0;
	_ =	sdelay $0x1  }
0x113: {  	(xrf2) =	vadd.scan.msk.f32 $0xffff, v0;
	_ =	sdelay $0x8  }
0x114: {  	s29 =	sadd.s32 $0x1, s24;
	v0, _, _ =	vpop (xrf2)  }
0x115: {  	s23 =	sadd.s32 $0x1, s29;
	[tilespmem:s29+$0x0] =	vst.msk vm0, v0;
	v0, _, _ =	vpop (xrf2)  }
0x116: {  	[tilespmem:s23+$0x0] =	vst.msk vm0, v0  }
0x117: {  	_ =	swait.ge [sflag:s19], $0x4000  }
0x118: {  	[sflag:s19] =	ssyncset.done $0x0  }
0x119: {  	[sflag:s19] =	ssyncadd.s32 $0xFFFFC000  }
0x11a: {  	_ =	swait.ge [sflag:s19], $0x4000  }
0x11b: {  	[sflag:s19] =	ssyncset.done $0x0  }
0x11c: {  	s30 =	simm.s32 $0x0;
	[sflag:s19] =	ssyncadd.s32 $0xFFFFC000  }
0x11d: {  	v0 =	vld [tilespmem:s30+$0xC480]  }
0x11e: {  	v1 =	vld [tilespmem:s30+$0x4480]  }
0x11f: {  	v2 =	vld [tilespmem:s30+$0xC490]  }
0x120: {  	v3 =	vld [tilespmem:s30+$0x4490]  }
0x121: {  	v4 =	vld [tilespmem:s30+$0xC4A0]  }
0x122: {  	v5 =	vld [tilespmem:s30+$0x44A0]  }
0x123: {  	v6 =	vld [tilespmem:s30+$0xC4B0]  }
0x124: {  	v7 =	vld [tilespmem:s30+$0x44B0]  }
0x125: {  	v8 =	vld [tilespmem:s30+$0xC4C0]  }
0x126: {  	v9 =	vld [tilespmem:s30+$0x44C0]  }
0x127: {  	v10 =	vld [tilespmem:s30+$0xC4D0]  }
0x128: {  	v11 =	vld [tilespmem:s30+$0x44D0]  }
0x129: {  	v12 =	vld [tilespmem:s30+$0xC4E0]  }
0x12a: {  	v13 =	vld [tilespmem:s30+$0x44E0]  }
0x12b: {  	v14 =	vld [tilespmem:s30+$0xC4F0]  }
0x12c: {  	s31 =	simm.s32 $0x80;
	v15 =	vld [tilespmem:s30+$0x44F0]  }
0x12d: {  	v16 =	vld [tilespmem:s31+$0xC480]  }
0x12e: {  	v17 =	vld [tilespmem:s31+$0x4480]  }
0x12f: {  	v18 =	vld [tilespmem:s31+$0xC490]  }
0x130: {  	v19 =	vld [tilespmem:s31+$0x4490]  }
0x131: {  	v20 =	vld [tilespmem:s31+$0xC4A0]  }
0x132: {  	v21 =	vld [tilespmem:s31+$0x44A0]  }
0x133: {  	v22 =	vld [tilespmem:s31+$0xC4B0]  }
0x134: {  	v23 =	vld [tilespmem:s31+$0x44B0];
	v0 =	vmul.f32 v1, v0;
	v1 =	vmul.f32 v3, v2  }
0x135: {  	v24 =	vld [tilespmem:s31+$0xC4C0];
	v2 =	vmul.f32 v5, v4;
	v3 =	vmul.f32 v7, v6  }
0x136: {  	v5 =	vld [tilespmem:s31+$0x44C0];
	v4 =	vmul.f32 v9, v8;
	v6 =	vmul.f32 v11, v10  }
0x137: {  	v7 =	vld [tilespmem:s31+$0xC4D0];
	v8 =	vmul.f32 v13, v12;
	v9 =	vmul.f32 v15, v14  }
0x138: {  	v10 =	vld [tilespmem:s31+$0x44D0];
	v0 =	vadd.f32 v1, v0;
	v1 =	vadd.f32 v3, v2  }
0x139: {  	v11 =	vld [tilespmem:s31+$0xC4E0];
	v2 =	vadd.f32 v6, v4;
	v3 =	vadd.f32 v9, v8  }
0x13a: {  	v6 =	vld [tilespmem:s31+$0x44E0]  }
0x13b: {  	v8 =	vld [tilespmem:s31+$0xC4F0];
	v0 =	vadd.f32 v1, v0;
	v1 =	vadd.f32 v3, v2  }
0x13c: {  	s23 =	simm.s32 $0x100;
	v9 =	vld [tilespmem:s31+$0x44F0]  }
0x13d: {  	v4 =	vld [tilespmem:s23+$0xC480];
	v2 =	vadd.f32 v1, v0  }
0x13e: {  	v12 =	vmul.f32 v17, v16;
	v13 =	vmul.f32 v19, v18;
	v3 =	vld [tilespmem:s23+$0xC4A0]  }
0x13f: {  	v14 =	vmul.f32 v21, v20;
	v63 =	vmul.f32 v5, v24;
	v5 =	vld [tilespmem:s23+$0x44A0];
	(xrf2) =	vadd.scan.msk.f32 $0xffff, v2  }
0x140: {  	v15 =	vmul.f32 v23, v22;
	v10 =	vmul.f32 v10, v7;
	v7 =	vld [tilespmem:s23+$0x44B0]  }
0x141: {  	v0 =	vld [tilespmem:s23+$0x4480];
	v11 =	vmul.f32 v6, v11;
	v8 =	vmul.f32 v9, v8  }
0x142: {  	v12 =	vadd.f32 v13, v12;
	v13 =	vadd.f32 v15, v14;
	v1 =	vld [tilespmem:s23+$0xC490]  }
0x143: {  	v6 =	vld [tilespmem:s23+$0xC4B0];
	v10 =	vadd.f32 v10, v63;
	v11 =	vadd.f32 v8, v11  }
0x144: {  	v9 =	vld [tilespmem:s23+$0x44C0]  }
0x145: {  	v12 =	vadd.f32 v13, v12;
	v2 =	vld [tilespmem:s23+$0x4490];
	v13 =	vadd.f32 v11, v10  }
0x146: {  	v8 =	vld [tilespmem:s23+$0xC4C0]  }
0x147: {  	v10 =	vld [tilespmem:s23+$0xC4D0];
	v14 =	vadd.f32 v13, v12  }
0x148: {  	v11 =	vld [tilespmem:s23+$0x44D0]  }
0x149: {  	v12 =	vld [tilespmem:s23+$0xC4E0];
	v15, _, _ =	vpop (xrf2);
	(xrf2) =	vadd.scan.msk.f32 $0xffff, v14  }
0x14a: {  	s24 =	simm.s32 $0x380;
	v13 =	vld [tilespmem:s23+$0x44E0]  }
0x14b: {  	s25 =	simm.s32 $0x600;
	v14 =	vld [tilespmem:s23+$0xC4F0];
	[tilespmem:s24+$0x0] =	vst.msk vm0, v15  }
.LBB2_8:
0x14c: {  	p0 =	sne.s32 s25, $0xFE00;
	v15 =	vld [tilespmem:s23+$0x44F0];
	s23 =	sshra.s32 s25, $0x2  }
0x14d: {  	v16 =	vld [tilespmem:s23+$0xC480]  }
0x14e: {  	v4 =	vmul.f32 v0, v4;
	v17 =	vmul.f32 v2, v1;
	v0 =	vld [tilespmem:s23+$0x4480]  }
0x14f: {  	v18 =	vmul.f32 v5, v3;
	v6 =	vmul.f32 v7, v6;
	v1 =	vld [tilespmem:s23+$0xC490]  }
0x150: {  	v7 =	vmul.f32 v9, v8;
	v19 =	vmul.f32 v11, v10;
	v2 =	vld [tilespmem:s23+$0x4490]  }
0x151: {  	v9 =	vmul.f32 v13, v12;
	v3 =	vld [tilespmem:s23+$0xC4A0];
	v10 =	vmul.f32 v15, v14  }
0x152: {  	v11 =	vadd.f32 v17, v4;
	v12 =	vadd.f32 v6, v18;
	v5 =	vld [tilespmem:s23+$0x44A0];
	v4 =	vmov v16  }
0x153: {  	s24 =	sadd.s32 $0x1, s24;
	v13 =	vadd.f32 v19, v7;
	v6 =	vld [tilespmem:s23+$0xC4B0];
	v9 =	vadd.f32 v10, v9;
	v8, _, _ =	vpop (xrf2)  }
0x154: {  	v7 =	vld [tilespmem:s23+$0x44B0];
	[tilespmem:s24+$0x0] =	vst.msk vm0, v8  }
0x155: {  	v11 =	vadd.f32 v12, v11;
	v8 =	vld [tilespmem:s23+$0xC4C0];
	v12 =	vadd.f32 v9, v13  }
0x156: {  	v9 =	vld [tilespmem:s23+$0x44C0]  }
.Ltmp3:
0x157: {  	v10 =	vld [tilespmem:s23+$0xC4D0];
	v13 =	vadd.f32 v12, v11;
	(pc) =	sbr.rel @p0 .LBB2_8-.Ltmp3, $4  }
0x158: {  	v11 =	vld [tilespmem:s23+$0x44D0]  }
0x159: {  	v12 =	vld [tilespmem:s23+$0xC4E0];
	(xrf2) =	vadd.scan.msk.f32 $0xffff, v13  }
0x15a: {  	v13 =	vld [tilespmem:s23+$0x44E0]  }
0x15b: {  	s25 =	sadd.s32 $0x200, s25;
	v14 =	vld [tilespmem:s23+$0xC4F0]  }
0x15c: {  	v15 =	vld [tilespmem:s23+$0x44F0];
	_ =	sdelay $0x1  }
0x15d: {  	v0 =	vmul.f32 v0, v4;
	v1 =	vmul.f32 v2, v1  }
0x15e: {  	v52 =	vmul.f32 v5, v3;
	v53 =	vmul.f32 v7, v6  }
0x15f: {  	v54 =	vmul.f32 v9, v8;
	v55 =	vmul.f32 v11, v10  }
0x160: {  	v56 =	vmul.f32 v13, v12;
	v57 =	vmul.f32 v15, v14  }
0x161: {  	v0 =	vadd.f32 v1, v0;
	v58 =	vadd.f32 v53, v52  }
0x162: {  	v59 =	vadd.f32 v55, v54;
	v60 =	vadd.f32 v57, v56;
	_ =	sdelay $0x1  }
0x163: {  	v0 =	vadd.f32 v58, v0;
	v61 =	vadd.f32 v60, v59;
	_ =	sdelay $0x1  }
0x164: {  	v0 =	vadd.f32 v61, v0;
	_ =	sdelay $0x1  }
0x165: {  	(xrf2) =	vadd.scan.msk.f32 $0xffff, v0;
	_ =	sdelay $0x8  }
0x166: {  	s31 =	sadd.s32 $0x1, s24;
	s22 =	sadd.s32 $0x1, s22;
	v62, _, _ =	vpop (xrf2)  }
0x167: {  	s23 =	sadd.s32 $0x1, s31;
	p0 =	sne.s32 s22, s10;
	[tilespmem:s31+$0x0] =	vst.msk vm0, v62;
	v63, _, _ =	vpop (xrf2)  }
.Ltmp4:
0x168: {  	[tilespmem:s23+$0x0] =	vst.msk vm0, v63;
	(pc) =	sbr.rel @p0 .LBB2_1-.Ltmp4, $4  }
0x169: {  	[hbm4b:s9+s3] =	stream.linear.scatter [tilespmem:s21], [sflag:$0x3], $0x200, $0x38;
	[tilespmem:$0x10480] =	vst v63  }
0x16a: {  	_ =	swait.ge [sflag:s12], $0x200  }
0x16b: {  	[sflag:s12] =	ssyncset.done $0x0  }
0x16c: {  	[sflag:s12] =	ssyncadd.s32 $0xFFFFFE00  }
0x16d: {  	_ =	sfence.sel $0x180000  }
0x16e: {  	[bflag:$0x0] =	sbarrier.arrive $0xFFFF  }
0x16f: {  	p0 =	sne.s32 s1, $0x0;
	_ =	strace $0x90000047  }
0x170: {  	s0 =	sadd.s32 @!p0 $0x100000, s0;
	[bflag:$0x2] =	sbarrier.arrive $0xFFFF  }
0x171: {  	[sflag:s0] =	ssyncadd.tile.s32 @!p0 $0x1;
	_ =	shalt  }
.Lfunc_end2:
_tile_overlayer_lowered:
.L_overlay_start_2:
0x172: {  	(tag) =	ssettag $0x2  }
0x173: {  	s0 =	rddreg [dreg:$0x0];
	s2 =	stileid.u32  }
0x174: {  	s1 =	rddreg [dreg:$0x1];
	p0 =	sne.s32 s2, $0x0  }
0x175: {  	s3 =	rddreg [dreg:$0x2];
	[bflag:$0x3] =	sbarrier.arrive $0xFFFF;
	s2 =	simm.s32 @!p0 $0x1C03  }
0x176: {  	[timem:s3], [sflag:s2] =	dma.local @!p0 [hbm:s0], s1  }
0x177: {  	s0 =	simm.s32 @!p0 $0x3  }
0x178: {  	_ =	swait.ge @!p0 [sflag:s0], s1  }
0x179: {  	s1 =	ssub.s32 @!p0 $0x0, s1;
	[sflag:s0] =	ssyncset.done @!p0 $0x0  }
0x17a: {  	[sflag:s0] =	ssyncadd.s32 @!p0 s1  }
0x17b: {  	[bflag:$0x3] =	sbarrier.arrive $0xFFFF  }
0x17c: {  	_ =	shalt  }

</sc_bundles>
